<compile_context>
chip_gen: v7x
topology: tpu7x:2x2x1
jax: 0.10.2.dev20260603
libtpu: 0.0.44.dev20260713+nightly
codegen_flags: <defaults>
</compile_context>

<pallas_src>
import functools
import jax
import jax.numpy as jnp
from jax import lax
from jax.experimental import pallas as pl
from jax.experimental.pallas import tpu as pltpu
from jax.experimental.pallas import tpu_sc as plsc

D_MODEL = 64
SCALE = 8.0
NC = 2
NS = 16
NW = NC * NS
LANES = 16

B = 4096
L = 200
BBLK = B // NW
CH = 4
OC = L // CH
VPF = D_MODEL // LANES

_mesh = plsc.VectorSubcoreMesh(core_axis_name="c", subcore_axis_name="s")


@functools.partial(
    pl.kernel,
    out_type=jax.ShapeDtypeStruct((B, L * D_MODEL), jnp.float32),
    mesh=_mesh,
    scratch_types=[
        pltpu.VMEM((L, BBLK), jnp.int32),
        pltpu.VMEM((BBLK, D_MODEL), jnp.float32),
        pltpu.VMEM((BBLK, D_MODEL), jnp.float32),
        pltpu.VMEM((BBLK, CH * D_MODEL), jnp.float32),
        pltpu.VMEM((BBLK, CH * D_MODEL), jnp.float32),
        pltpu.SemaphoreType.DMA,
        pltpu.SemaphoreType.DMA,
        pltpu.SemaphoreType.DMA,
        pltpu.SemaphoreType.DMA,
    ],
    compiler_params=pltpu.CompilerParams(use_tc_tiling_on_sc=False, needs_layout_passes=False),
)
def _embed(idsT_hbm, table_hbm, out_hbm, idx_v, in0, in1, ou0, ou1,
           gs0, gs1, ws0, ws1):
    inb = (in0, in1)
    oub = (ou0, ou1)
    gsem = (gs0, gs1)
    wsem = (ws0, ws1)

    wid = lax.axis_index("s") * NC + lax.axis_index("c")
    row0 = wid * BBLK

    pltpu.sync_copy(idsT_hbm.at[:, pl.ds(row0, BBLK)], idx_v)

    for b in range(2):
        pltpu.async_copy(table_hbm.at[idx_v.at[b]], inb[b], gsem[b])

    @pl.loop(0, OC // 2)
    def _chunks(oo):
        for par in range(2):
            o = oo * 2 + par

            @pl.when(oo > 0)
            def _():
                pltpu.make_async_copy(
                    oub[par],
                    out_hbm.at[pl.ds(row0, BBLK),
                               pl.ds((o - 2) * CH * D_MODEL, CH * D_MODEL)],
                    wsem[par]).wait()

            for j in range(CH):
                l = o * CH + j
                b = j % 2

                pltpu.make_async_copy(
                    table_hbm.at[idx_v.at[l]], inb[b], gsem[b]).wait()

                @plsc.parallel_loop(0, BBLK, step=1, unroll=8)
                def _rows(r):
                    for c in range(VPF):
                        v = inb[b][r, pl.ds(c * LANES, LANES)]
                        oub[par][r, pl.ds(j * D_MODEL + c * LANES, LANES)] = (
                            v * SCALE)

                @pl.when(l < L - 2)
                def _():
                    pltpu.async_copy(
                        table_hbm.at[idx_v.at[l + 2]], inb[b], gsem[b])

            pltpu.async_copy(
                oub[par],
                out_hbm.at[pl.ds(row0, BBLK),
                           pl.ds(o * CH * D_MODEL, CH * D_MODEL)],
                wsem[par])

    for par in range(2):
        o = OC - 2 + par
        pltpu.make_async_copy(
            oub[par],
            out_hbm.at[pl.ds(row0, BBLK),
                       pl.ds(o * CH * D_MODEL, CH * D_MODEL)],
            wsem[par]).wait()


def kernel(input_ids, weight):
    out2d = _embed(input_ids.T, weight)
    return out2d.reshape(B, L, D_MODEL)

# --- scband reference (transcript-rebuilt; emitter-appended) ---
"""Pipeline reference for scband-token-embedding-82755429859834 (READ-ONLY COPY).

The authoritative reference and input builder live on the scoring server;
editing this copy changes nothing except your own understanding.
"""

import jax, jax.numpy as jnp
import numpy as np
import math

VOCAB = 1000000
D_MODEL = 64
B = 4096
L = 200

def setup_inputs(seed: int = 0) -> dict:
    key = jax.random.key(seed)
    k1, k2 = jax.random.split(key)
    input_ids = jax.random.randint(k1, (B, L), 0, VOCAB, dtype=jnp.int64 if jax.config.jax_enable_x64 else jnp.int32).astype(jnp.int32)
    weight = jax.random.normal(k2, (VOCAB, D_MODEL), dtype=jnp.float32)
    return {"input_ids": input_ids, "weight": weight}

def reference(input_ids, weight):
    # TokenEmbedding.forward: embedding(input_ids) * sqrt(d_model)
    scale = math.sqrt(D_MODEL)
    emb = jnp.take(weight, input_ids, axis=0)
    return emb * scale

if __name__ == "__main__":
    import jax
    _d = setup_inputs()
    print(jax.jit(kernel)(*tuple(_d.values())))

</pallas_src>

<mosaic_0001>
#map = affine_map<(d0, d1) -> (0, 0)>
module attributes {stable_mosaic.version = 14 : i64} {
  func.func @_embed(%arg0: i32, %arg1: i32, %arg2: memref<200x4096xi32, #tpu.memory_space<hbm>>, %arg3: memref<1000000x64xf32, #tpu.memory_space<hbm>>, %arg4: memref<4096x12800xf32, #tpu.memory_space<hbm>>, %arg5: memref<200x128xi32, #tpu.memory_space<vmem>>, %arg6: memref<128x64xf32, #tpu.memory_space<vmem>>, %arg7: memref<128x64xf32, #tpu.memory_space<vmem>>, %arg8: memref<128x256xf32, #tpu.memory_space<vmem>>, %arg9: memref<128x256xf32, #tpu.memory_space<vmem>>, %arg10: memref<!tpu.dma_semaphore, #tpu.memory_space<semaphore_mem>>, %arg11: memref<!tpu.dma_semaphore, #tpu.memory_space<semaphore_mem>>, %arg12: memref<!tpu.dma_semaphore, #tpu.memory_space<semaphore_mem>>, %arg13: memref<!tpu.dma_semaphore, #tpu.memory_space<semaphore_mem>>) attributes {dimension_semantics = [#tpu.dimension_semantics<core_parallel>, #tpu.dimension_semantics<subcore_parallel>], iteration_bounds = array<i64: 2, 16>, scalar_prefetch = 0 : i64, scratch_operands = 9 : i64, tpu.core_type = #tpu.core_type<sc_vector_subcore>, window_params = [{transform_indices = #map}, {transform_indices = #map}, {transform_indices = #map}]} {
    %mul3A = arith.constant 2 : i32
    %mul3A_0 = arith.muli %arg1, %mul3A : i32
    %add3A = arith.addi %mul3A_0, %arg0 : i32
    %mul3A_1 = arith.constant 128 : i32
    %mul3A_2 = arith.muli %add3A, %mul3A_1 : i32
    "tpu.region"() ({
      %run_scoped3A = tpu.sem_alloc : memref<!tpu.dma_semaphore, #tpu.memory_space<semaphore_mem>>
      %dma_start3A_27 = arith.constant 0 : i32
      %dma_start3A_28 = tpu.memref_slice %arg2[%dma_start3A_27, %mul3A_2] : memref<200x4096xi32, #tpu.memory_space<hbm>> -> memref<200x128xi32, #tpu.memory_space<hbm>>
      %dma_start3A_29 = arith.constant 0 : i32
      %dma_start3A_30 = tpu.memref_slice %arg2[%dma_start3A_29, %mul3A_2] : memref<200x4096xi32, #tpu.memory_space<hbm>> -> memref<200x128xi32, #tpu.memory_space<hbm>>
      tpu.enqueue_dma source(%dma_start3A_30 : memref<200x128xi32, #tpu.memory_space<hbm>>) target(%arg5 : memref<200x128xi32, #tpu.memory_space<vmem>>) target_semaphore(%run_scoped3A : memref<!tpu.dma_semaphore, #tpu.memory_space<semaphore_mem>>)
      %dma_wait3A_31 = arith.constant 0 : i32
      %dma_wait3A_32 = tpu.memref_slice %arg2[%dma_wait3A_31, %mul3A_2] : memref<200x4096xi32, #tpu.memory_space<hbm>> -> memref<200x128xi32, #tpu.memory_space<hbm>>
      %dma_wait3A_33 = arith.constant 0 : i32
      %dma_wait3A_34 = tpu.memref_slice %arg2[%dma_wait3A_33, %mul3A_2] : memref<200x4096xi32, #tpu.memory_space<hbm>> -> memref<200x128xi32, #tpu.memory_space<hbm>>
      tpu.wait_dma2 semaphore(%run_scoped3A : memref<!tpu.dma_semaphore, #tpu.memory_space<semaphore_mem>>) src(%dma_wait3A_34 : memref<200x128xi32, #tpu.memory_space<hbm>>) dst(%arg5 : memref<200x128xi32, #tpu.memory_space<vmem>>)
      tpu.yield
    }) : () -> ()
    %dma_start3A = arith.constant 0 : i32
    %dma_start3A_3 = arith.constant 0 : i32
    %dma_start3A_4 = tpu.memref_slice %arg5[%dma_start3A, %dma_start3A_3] : memref<200x128xi32, #tpu.memory_space<vmem>> -> memref<1x128xi32, #tpu.memory_space<vmem>>
    %dma_start3A_5 = tpu.memref_squeeze %dma_start3A_4 : memref<1x128xi32, #tpu.memory_space<vmem>> -> memref<128xi32, #tpu.memory_space<vmem>>
    %dma_start3A_6 = arith.constant 0 : i32
    %dma_start3A_7 = arith.constant 0 : i32
    %dma_start3A_8 = tpu.memref_slice %arg3[%dma_start3A_6, %dma_start3A_7] : memref<1000000x64xf32, #tpu.memory_space<hbm>> -> memref<1000000x64xf32, #tpu.memory_space<hbm>>
    tpu.enqueue_indirect_dma source(%dma_start3A_8 : memref<1000000x64xf32, #tpu.memory_space<hbm>>) target(%arg6 : memref<128x64xf32, #tpu.memory_space<vmem>>) offsets(%dma_start3A_5 : memref<128xi32, #tpu.memory_space<vmem>>) semaphore(%arg10 : memref<!tpu.dma_semaphore, #tpu.memory_space<semaphore_mem>>)
    %dma_start3A_9 = arith.constant 1 : i32
    %dma_start3A_10 = arith.constant 0 : i32
    %dma_start3A_11 = tpu.memref_slice %arg5[%dma_start3A_9, %dma_start3A_10] : memref<200x128xi32, #tpu.memory_space<vmem>> -> memref<1x128xi32, #tpu.memory_space<vmem>>
    %dma_start3A_12 = tpu.memref_squeeze %dma_start3A_11 : memref<1x128xi32, #tpu.memory_space<vmem>> -> memref<128xi32, #tpu.memory_space<vmem>>
    %dma_start3A_13 = arith.constant 0 : i32
    %dma_start3A_14 = arith.constant 0 : i32
    %dma_start3A_15 = tpu.memref_slice %arg3[%dma_start3A_13, %dma_start3A_14] : memref<1000000x64xf32, #tpu.memory_space<hbm>> -> memref<1000000x64xf32, #tpu.memory_space<hbm>>
    tpu.enqueue_indirect_dma source(%dma_start3A_15 : memref<1000000x64xf32, #tpu.memory_space<hbm>>) target(%arg7 : memref<128x64xf32, #tpu.memory_space<vmem>>) offsets(%dma_start3A_12 : memref<128xi32, #tpu.memory_space<vmem>>) semaphore(%arg11 : memref<!tpu.dma_semaphore, #tpu.memory_space<semaphore_mem>>)
    %scan3A = arith.constant 0 : i32
    %scan3A_16 = arith.constant 25 : i32
    %scan3A_17 = arith.addi %scan3A, %scan3A_16 : i32
    %scan3A_18 = arith.constant 1 : i32
    scf.for %scan3A_27 = %scan3A to %scan3A_17 step %scan3A_18  : i32 {
      %mul3A_28 = arith.constant 1 : i32
      %mul3A_29 = arith.muli %scan3A_27, %mul3A_28 : i32
      %add3A_30 = arith.constant 0 : i32
      %add3A_31 = arith.addi %add3A_30, %mul3A_29 : i32
      %mul3A_32 = arith.constant 2 : i32
      %mul3A_33 = arith.muli %add3A_31, %mul3A_32 : i32
      %add3A_34 = arith.constant 0 : i32
      %add3A_35 = arith.addi %mul3A_33, %add3A_34 : i32
      %gt3A = arith.constant 0 : i32
      %gt3A_36 = arith.cmpi sgt, %add3A_31, %gt3A : i32
      %convert_element_type3A = arith.extui %gt3A_36 : i1 to i32
      %cond3A = arith.constant 0 : i32
      %cond3A_37 = arith.cmpi ne, %convert_element_type3A, %cond3A : i32
      scf.if %cond3A_37 {
        %sub3A = arith.constant 2 : i32
        %sub3A_201 = arith.subi %add3A_35, %sub3A : i32
        %mul3A_202 = arith.constant 4 : i32
        %mul3A_203 = arith.muli %sub3A_201, %mul3A_202 : i32
        %mul3A_204 = arith.constant 64 : i32
        %mul3A_205 = arith.muli %mul3A_203, %mul3A_204 : i32
        %dma_wait3A_206 = tpu.memref_slice %arg4[%mul3A_2, %mul3A_205] : memref<4096x12800xf32, #tpu.memory_space<hbm>> -> memref<128x256xf32, #tpu.memory_space<hbm>>
        %dma_wait3A_207 = tpu.memref_slice %arg4[%mul3A_2, %mul3A_205] : memref<4096x12800xf32, #tpu.memory_space<hbm>> -> memref<128x256xf32, #tpu.memory_space<hbm>>
        tpu.wait_dma2 semaphore(%arg12 : memref<!tpu.dma_semaphore, #tpu.memory_space<semaphore_mem>>) src(%arg8 : memref<128x256xf32, #tpu.memory_space<vmem>>) dst(%dma_wait3A_207 : memref<128x256xf32, #tpu.memory_space<hbm>>)
      } else {
      }
      %mul3A_38 = arith.constant 4 : i32
      %mul3A_39 = arith.muli %add3A_35, %mul3A_38 : i32
      %add3A_40 = arith.constant 0 : i32
      %add3A_41 = arith.addi %mul3A_39, %add3A_40 : i32
      %dma_wait3A_42 = arith.constant 0 : i32
      %dma_wait3A_43 = tpu.memref_slice %arg5[%add3A_41, %dma_wait3A_42] : memref<200x128xi32, #tpu.memory_space<vmem>> -> memref<1x128xi32, #tpu.memory_space<vmem>>
      %dma_wait3A_44 = tpu.memref_squeeze %dma_wait3A_43 : memref<1x128xi32, #tpu.memory_space<vmem>> -> memref<128xi32, #tpu.memory_space<vmem>>
      %dma_wait3A_45 = arith.constant 0 : i32
      %dma_wait3A_46 = arith.constant 0 : i32
      %dma_wait3A_47 = tpu.memref_slice %arg3[%dma_wait3A_45, %dma_wait3A_46] : memref<1000000x64xf32, #tpu.memory_space<hbm>> -> memref<1000000x64xf32, #tpu.memory_space<hbm>>
      tpu.wait_indirect_dma semaphore(%arg10 : memref<!tpu.dma_semaphore, #tpu.memory_space<semaphore_mem>>) src(%dma_wait3A_47 : memref<1000000x64xf32, #tpu.memory_space<hbm>>) dst(%arg6 : memref<128x64xf32, #tpu.memory_space<vmem>>)
      %parallel_loop3A = arith.constant 0 : i32
      %parallel_loop3A_48 = arith.constant 128 : i32
      %parallel_loop3A_49 = arith.constant 1 : i32
      scf.for %parallel_loop3A_201 = %parallel_loop3A to %parallel_loop3A_48 step %parallel_loop3A_49  : i32 {
        %parallel_loop3A_202 = arith.index_cast %parallel_loop3A_201 : i32 to index
        %parallel_loop3A_203 = arith.constant 0 : index
        %parallel_loop3A_204 = tpu.vector_load %arg6[%parallel_loop3A_202, %parallel_loop3A_203] {strides = array<i32>} : memref<128x64xf32, #tpu.memory_space<vmem>>, vector<16xf32>,
        %parallel_loop3A_205 = arith.constant 8.000000e+00 : f32
        %parallel_loop3A_206 = vector.broadcast %parallel_loop3A_205 : f32 to vector<16xf32>
        %parallel_loop3A_207 = arith.mulf %parallel_loop3A_204, %parallel_loop3A_206 : vector<16xf32>
        %parallel_loop3A_208 = arith.index_cast %parallel_loop3A_201 : i32 to index
        %parallel_loop3A_209 = arith.constant 0 : index
        %parallel_loop3A_210 = tpu.vector_load %arg8[%parallel_loop3A_208, %parallel_loop3A_209] {strides = array<i32>} : memref<128x256xf32, #tpu.memory_space<vmem>>, vector<16xf32>,
        tpu.vector_store %arg8[%parallel_loop3A_208, %parallel_loop3A_209], %parallel_loop3A_207 {strides = array<i32>} : memref<128x256xf32, #tpu.memory_space<vmem>>, vector<16xf32>,
        %parallel_loop3A_211 = arith.index_cast %parallel_loop3A_201 : i32 to index
        %parallel_loop3A_212 = arith.constant 16 : index
        %parallel_loop3A_213 = tpu.vector_load %arg6[%parallel_loop3A_211, %parallel_loop3A_212] {strides = array<i32>} : memref<128x64xf32, #tpu.memory_space<vmem>>, vector<16xf32>,
        %parallel_loop3A_214 = arith.constant 8.000000e+00 : f32
        %parallel_loop3A_215 = vector.broadcast %parallel_loop3A_214 : f32 to vector<16xf32>
        %parallel_loop3A_216 = arith.mulf %parallel_loop3A_213, %parallel_loop3A_215 : vector<16xf32>
        %parallel_loop3A_217 = arith.index_cast %parallel_loop3A_201 : i32 to index
        %parallel_loop3A_218 = arith.constant 16 : index
        %parallel_loop3A_219 = tpu.vector_load %arg8[%parallel_loop3A_217, %parallel_loop3A_218] {strides = array<i32>} : memref<128x256xf32, #tpu.memory_space<vmem>>, vector<16xf32>,
        tpu.vector_store %arg8[%parallel_loop3A_217, %parallel_loop3A_218], %parallel_loop3A_216 {strides = array<i32>} : memref<128x256xf32, #tpu.memory_space<vmem>>, vector<16xf32>,
        %parallel_loop3A_220 = arith.index_cast %parallel_loop3A_201 : i32 to index
        %parallel_loop3A_221 = arith.constant 32 : index
        %parallel_loop3A_222 = tpu.vector_load %arg6[%parallel_loop3A_220, %parallel_loop3A_221] {strides = array<i32>} : memref<128x64xf32, #tpu.memory_space<vmem>>, vector<16xf32>,
        %parallel_loop3A_223 = arith.constant 8.000000e+00 : f32
        %parallel_loop3A_224 = vector.broadcast %parallel_loop3A_223 : f32 to vector<16xf32>
        %parallel_loop3A_225 = arith.mulf %parallel_loop3A_222, %parallel_loop3A_224 : vector<16xf32>
        %parallel_loop3A_226 = arith.index_cast %parallel_loop3A_201 : i32 to index
        %parallel_loop3A_227 = arith.constant 32 : index
        %parallel_loop3A_228 = tpu.vector_load %arg8[%parallel_loop3A_226, %parallel_loop3A_227] {strides = array<i32>} : memref<128x256xf32, #tpu.memory_space<vmem>>, vector<16xf32>,
        tpu.vector_store %arg8[%parallel_loop3A_226, %parallel_loop3A_227], %parallel_loop3A_225 {strides = array<i32>} : memref<128x256xf32, #tpu.memory_space<vmem>>, vector<16xf32>,
        %parallel_loop3A_229 = arith.index_cast %parallel_loop3A_201 : i32 to index
        %parallel_loop3A_230 = arith.constant 48 : index
        %parallel_loop3A_231 = tpu.vector_load %arg6[%parallel_loop3A_229, %parallel_loop3A_230] {strides = array<i32>} : memref<128x64xf32, #tpu.memory_space<vmem>>, vector<16xf32>,
        %parallel_loop3A_232 = arith.constant 8.000000e+00 : f32
        %parallel_loop3A_233 = vector.broadcast %parallel_loop3A_232 : f32 to vector<16xf32>
        %parallel_loop3A_234 = arith.mulf %parallel_loop3A_231, %parallel_loop3A_233 : vector<16xf32>
        %parallel_loop3A_235 = arith.index_cast %parallel_loop3A_201 : i32 to index
        %parallel_loop3A_236 = arith.constant 48 : index
        %parallel_loop3A_237 = tpu.vector_load %arg8[%parallel_loop3A_235, %parallel_loop3A_236] {strides = array<i32>} : memref<128x256xf32, #tpu.memory_space<vmem>>, vector<16xf32>,
        tpu.vector_store %arg8[%parallel_loop3A_235, %parallel_loop3A_236], %parallel_loop3A_234 {strides = array<i32>} : memref<128x256xf32, #tpu.memory_space<vmem>>, vector<16xf32>,
      } {sc.loop_unroll_factor = 8 : i64, sc.parallel_access}
      %lt3A = arith.constant 198 : i32
      %lt3A_50 = arith.cmpi slt, %add3A_41, %lt3A : i32
      %convert_element_type3A_51 = arith.extui %lt3A_50 : i1 to i32
      %cond3A_52 = arith.constant 0 : i32
      %cond3A_53 = arith.cmpi ne, %convert_element_type3A_51, %cond3A_52 : i32
      scf.if %cond3A_53 {
        %add3A_201 = arith.constant 2 : i32
        %add3A_202 = arith.addi %add3A_41, %add3A_201 : i32
        %dma_start3A_203 = arith.constant 0 : i32
        %dma_start3A_204 = tpu.memref_slice %arg5[%add3A_202, %dma_start3A_203] : memref<200x128xi32, #tpu.memory_space<vmem>> -> memref<1x128xi32, #tpu.memory_space<vmem>>
        %dma_start3A_205 = tpu.memref_squeeze %dma_start3A_204 : memref<1x128xi32, #tpu.memory_space<vmem>> -> memref<128xi32, #tpu.memory_space<vmem>>
        %dma_start3A_206 = arith.constant 0 : i32
        %dma_start3A_207 = arith.constant 0 : i32
        %dma_start3A_208 = tpu.memref_slice %arg3[%dma_start3A_206, %dma_start3A_207] : memref<1000000x64xf32, #tpu.memory_space<hbm>> -> memref<1000000x64xf32, #tpu.memory_space<hbm>>
        tpu.enqueue_indirect_dma source(%dma_start3A_208 : memref<1000000x64xf32, #tpu.memory_space<hbm>>) target(%arg6 : memref<128x64xf32, #tpu.memory_space<vmem>>) offsets(%dma_start3A_205 : memref<128xi32, #tpu.memory_space<vmem>>) semaphore(%arg10 : memref<!tpu.dma_semaphore, #tpu.memory_space<semaphore_mem>>)
      } else {
      }
      %mul3A_54 = arith.constant 4 : i32
      %mul3A_55 = arith.muli %add3A_35, %mul3A_54 : i32
      %add3A_56 = arith.constant 1 : i32
      %add3A_57 = arith.addi %mul3A_55, %add3A_56 : i32
      %dma_wait3A_58 = arith.constant 0 : i32
      %dma_wait3A_59 = tpu.memref_slice %arg5[%add3A_57, %dma_wait3A_58] : memref<200x128xi32, #tpu.memory_space<vmem>> -> memref<1x128xi32, #tpu.memory_space<vmem>>
      %dma_wait3A_60 = tpu.memref_squeeze %dma_wait3A_59 : memref<1x128xi32, #tpu.memory_space<vmem>> -> memref<128xi32, #tpu.memory_space<vmem>>
      %dma_wait3A_61 = arith.constant 0 : i32
      %dma_wait3A_62 = arith.constant 0 : i32
      %dma_wait3A_63 = tpu.memref_slice %arg3[%dma_wait3A_61, %dma_wait3A_62] : memref<1000000x64xf32, #tpu.memory_space<hbm>> -> memref<1000000x64xf32, #tpu.memory_space<hbm>>
      tpu.wait_indirect_dma semaphore(%arg11 : memref<!tpu.dma_semaphore, #tpu.memory_space<semaphore_mem>>) src(%dma_wait3A_63 : memref<1000000x64xf32, #tpu.memory_space<hbm>>) dst(%arg7 : memref<128x64xf32, #tpu.memory_space<vmem>>)
      %parallel_loop3A_64 = arith.constant 0 : i32
      %parallel_loop3A_65 = arith.constant 128 : i32
      %parallel_loop3A_66 = arith.constant 1 : i32
      scf.for %parallel_loop3A_201 = %parallel_loop3A_64 to %parallel_loop3A_65 step %parallel_loop3A_66  : i32 {
        %parallel_loop3A_202 = arith.index_cast %parallel_loop3A_201 : i32 to index
        %parallel_loop3A_203 = arith.constant 0 : index
        %parallel_loop3A_204 = tpu.vector_load %arg7[%parallel_loop3A_202, %parallel_loop3A_203] {strides = array<i32>} : memref<128x64xf32, #tpu.memory_space<vmem>>, vector<16xf32>,
        %parallel_loop3A_205 = arith.constant 8.000000e+00 : f32
        %parallel_loop3A_206 = vector.broadcast %parallel_loop3A_205 : f32 to vector<16xf32>
        %parallel_loop3A_207 = arith.mulf %parallel_loop3A_204, %parallel_loop3A_206 : vector<16xf32>
        %parallel_loop3A_208 = arith.index_cast %parallel_loop3A_201 : i32 to index
        %parallel_loop3A_209 = arith.constant 64 : index
        %parallel_loop3A_210 = tpu.vector_load %arg8[%parallel_loop3A_208, %parallel_loop3A_209] {strides = array<i32>} : memref<128x256xf32, #tpu.memory_space<vmem>>, vector<16xf32>,
        tpu.vector_store %arg8[%parallel_loop3A_208, %parallel_loop3A_209], %parallel_loop3A_207 {strides = array<i32>} : memref<128x256xf32, #tpu.memory_space<vmem>>, vector<16xf32>,
        %parallel_loop3A_211 = arith.index_cast %parallel_loop3A_201 : i32 to index
        %parallel_loop3A_212 = arith.constant 16 : index
        %parallel_loop3A_213 = tpu.vector_load %arg7[%parallel_loop3A_211, %parallel_loop3A_212] {strides = array<i32>} : memref<128x64xf32, #tpu.memory_space<vmem>>, vector<16xf32>,
        %parallel_loop3A_214 = arith.constant 8.000000e+00 : f32
        %parallel_loop3A_215 = vector.broadcast %parallel_loop3A_214 : f32 to vector<16xf32>
        %parallel_loop3A_216 = arith.mulf %parallel_loop3A_213, %parallel_loop3A_215 : vector<16xf32>
        %parallel_loop3A_217 = arith.index_cast %parallel_loop3A_201 : i32 to index
        %parallel_loop3A_218 = arith.constant 80 : index
        %parallel_loop3A_219 = tpu.vector_load %arg8[%parallel_loop3A_217, %parallel_loop3A_218] {strides = array<i32>} : memref<128x256xf32, #tpu.memory_space<vmem>>, vector<16xf32>,
        tpu.vector_store %arg8[%parallel_loop3A_217, %parallel_loop3A_218], %parallel_loop3A_216 {strides = array<i32>} : memref<128x256xf32, #tpu.memory_space<vmem>>, vector<16xf32>,
        %parallel_loop3A_220 = arith.index_cast %parallel_loop3A_201 : i32 to index
        %parallel_loop3A_221 = arith.constant 32 : index
        %parallel_loop3A_222 = tpu.vector_load %arg7[%parallel_loop3A_220, %parallel_loop3A_221] {strides = array<i32>} : memref<128x64xf32, #tpu.memory_space<vmem>>, vector<16xf32>,
        %parallel_loop3A_223 = arith.constant 8.000000e+00 : f32
        %parallel_loop3A_224 = vector.broadcast %parallel_loop3A_223 : f32 to vector<16xf32>
        %parallel_loop3A_225 = arith.mulf %parallel_loop3A_222, %parallel_loop3A_224 : vector<16xf32>
        %parallel_loop3A_226 = arith.index_cast %parallel_loop3A_201 : i32 to index
        %parallel_loop3A_227 = arith.constant 96 : index
        %parallel_loop3A_228 = tpu.vector_load %arg8[%parallel_loop3A_226, %parallel_loop3A_227] {strides = array<i32>} : memref<128x256xf32, #tpu.memory_space<vmem>>, vector<16xf32>,
        tpu.vector_store %arg8[%parallel_loop3A_226, %parallel_loop3A_227], %parallel_loop3A_225 {strides = array<i32>} : memref<128x256xf32, #tpu.memory_space<vmem>>, vector<16xf32>,
        %parallel_loop3A_229 = arith.index_cast %parallel_loop3A_201 : i32 to index
        %parallel_loop3A_230 = arith.constant 48 : index
        %parallel_loop3A_231 = tpu.vector_load %arg7[%parallel_loop3A_229, %parallel_loop3A_230] {strides = array<i32>} : memref<128x64xf32, #tpu.memory_space<vmem>>, vector<16xf32>,
        %parallel_loop3A_232 = arith.constant 8.000000e+00 : f32
        %parallel_loop3A_233 = vector.broadcast %parallel_loop3A_232 : f32 to vector<16xf32>
        %parallel_loop3A_234 = arith.mulf %parallel_loop3A_231, %parallel_loop3A_233 : vector<16xf32>
        %parallel_loop3A_235 = arith.index_cast %parallel_loop3A_201 : i32 to index
        %parallel_loop3A_236 = arith.constant 112 : index
        %parallel_loop3A_237 = tpu.vector_load %arg8[%parallel_loop3A_235, %parallel_loop3A_236] {strides = array<i32>} : memref<128x256xf32, #tpu.memory_space<vmem>>, vector<16xf32>,
        tpu.vector_store %arg8[%parallel_loop3A_235, %parallel_loop3A_236], %parallel_loop3A_234 {strides = array<i32>} : memref<128x256xf32, #tpu.memory_space<vmem>>, vector<16xf32>,
      } {sc.loop_unroll_factor = 8 : i64, sc.parallel_access}
      %lt3A_67 = arith.constant 198 : i32
      %lt3A_68 = arith.cmpi slt, %add3A_57, %lt3A_67 : i32
      %convert_element_type3A_69 = arith.extui %lt3A_68 : i1 to i32
      %cond3A_70 = arith.constant 0 : i32
      %cond3A_71 = arith.cmpi ne, %convert_element_type3A_69, %cond3A_70 : i32
      scf.if %cond3A_71 {
        %add3A_201 = arith.constant 2 : i32
        %add3A_202 = arith.addi %add3A_57, %add3A_201 : i32
        %dma_start3A_203 = arith.constant 0 : i32
        %dma_start3A_204 = tpu.memref_slice %arg5[%add3A_202, %dma_start3A_203] : memref<200x128xi32, #tpu.memory_space<vmem>> -> memref<1x128xi32, #tpu.memory_space<vmem>>
        %dma_start3A_205 = tpu.memref_squeeze %dma_start3A_204 : memref<1x128xi32, #tpu.memory_space<vmem>> -> memref<128xi32, #tpu.memory_space<vmem>>
        %dma_start3A_206 = arith.constant 0 : i32
        %dma_start3A_207 = arith.constant 0 : i32
        %dma_start3A_208 = tpu.memref_slice %arg3[%dma_start3A_206, %dma_start3A_207] : memref<1000000x64xf32, #tpu.memory_space<hbm>> -> memref<1000000x64xf32, #tpu.memory_space<hbm>>
        tpu.enqueue_indirect_dma source(%dma_start3A_208 : memref<1000000x64xf32, #tpu.memory_space<hbm>>) target(%arg7 : memref<128x64xf32, #tpu.memory_space<vmem>>) offsets(%dma_start3A_205 : memref<128xi32, #tpu.memory_space<vmem>>) semaphore(%arg11 : memref<!tpu.dma_semaphore, #tpu.memory_space<semaphore_mem>>)
      } else {
      }
      %mul3A_72 = arith.constant 4 : i32
      %mul3A_73 = arith.muli %add3A_35, %mul3A_72 : i32
      %add3A_74 = arith.constant 2 : i32
      %add3A_75 = arith.addi %mul3A_73, %add3A_74 : i32
      %dma_wait3A_76 = arith.constant 0 : i32
      %dma_wait3A_77 = tpu.memref_slice %arg5[%add3A_75, %dma_wait3A_76] : memref<200x128xi32, #tpu.memory_space<vmem>> -> memref<1x128xi32, #tpu.memory_space<vmem>>
      %dma_wait3A_78 = tpu.memref_squeeze %dma_wait3A_77 : memref<1x128xi32, #tpu.memory_space<vmem>> -> memref<128xi32, #tpu.memory_space<vmem>>
      %dma_wait3A_79 = arith.constant 0 : i32
      %dma_wait3A_80 = arith.constant 0 : i32
      %dma_wait3A_81 = tpu.memref_slice %arg3[%dma_wait3A_79, %dma_wait3A_80] : memref<1000000x64xf32, #tpu.memory_space<hbm>> -> memref<1000000x64xf32, #tpu.memory_space<hbm>>
      tpu.wait_indirect_dma semaphore(%arg10 : memref<!tpu.dma_semaphore, #tpu.memory_space<semaphore_mem>>) src(%dma_wait3A_81 : memref<1000000x64xf32, #tpu.memory_space<hbm>>) dst(%arg6 : memref<128x64xf32, #tpu.memory_space<vmem>>)
      %parallel_loop3A_82 = arith.constant 0 : i32
      %parallel_loop3A_83 = arith.constant 128 : i32
      %parallel_loop3A_84 = arith.constant 1 : i32
      scf.for %parallel_loop3A_201 = %parallel_loop3A_82 to %parallel_loop3A_83 step %parallel_loop3A_84  : i32 {
        %parallel_loop3A_202 = arith.index_cast %parallel_loop3A_201 : i32 to index
        %parallel_loop3A_203 = arith.constant 0 : index
        %parallel_loop3A_204 = tpu.vector_load %arg6[%parallel_loop3A_202, %parallel_loop3A_203] {strides = array<i32>} : memref<128x64xf32, #tpu.memory_space<vmem>>, vector<16xf32>,
        %parallel_loop3A_205 = arith.constant 8.000000e+00 : f32
        %parallel_loop3A_206 = vector.broadcast %parallel_loop3A_205 : f32 to vector<16xf32>
        %parallel_loop3A_207 = arith.mulf %parallel_loop3A_204, %parallel_loop3A_206 : vector<16xf32>
        %parallel_loop3A_208 = arith.index_cast %parallel_loop3A_201 : i32 to index
        %parallel_loop3A_209 = arith.constant 128 : index
        %parallel_loop3A_210 = tpu.vector_load %arg8[%parallel_loop3A_208, %parallel_loop3A_209] {strides = array<i32>} : memref<128x256xf32, #tpu.memory_space<vmem>>, vector<16xf32>,
        tpu.vector_store %arg8[%parallel_loop3A_208, %parallel_loop3A_209], %parallel_loop3A_207 {strides = array<i32>} : memref<128x256xf32, #tpu.memory_space<vmem>>, vector<16xf32>,
        %parallel_loop3A_211 = arith.index_cast %parallel_loop3A_201 : i32 to index
        %parallel_loop3A_212 = arith.constant 16 : index
        %parallel_loop3A_213 = tpu.vector_load %arg6[%parallel_loop3A_211, %parallel_loop3A_212] {strides = array<i32>} : memref<128x64xf32, #tpu.memory_space<vmem>>, vector<16xf32>,
        %parallel_loop3A_214 = arith.constant 8.000000e+00 : f32
        %parallel_loop3A_215 = vector.broadcast %parallel_loop3A_214 : f32 to vector<16xf32>
        %parallel_loop3A_216 = arith.mulf %parallel_loop3A_213, %parallel_loop3A_215 : vector<16xf32>
        %parallel_loop3A_217 = arith.index_cast %parallel_loop3A_201 : i32 to index
        %parallel_loop3A_218 = arith.constant 144 : index
        %parallel_loop3A_219 = tpu.vector_load %arg8[%parallel_loop3A_217, %parallel_loop3A_218] {strides = array<i32>} : memref<128x256xf32, #tpu.memory_space<vmem>>, vector<16xf32>,
        tpu.vector_store %arg8[%parallel_loop3A_217, %parallel_loop3A_218], %parallel_loop3A_216 {strides = array<i32>} : memref<128x256xf32, #tpu.memory_space<vmem>>, vector<16xf32>,
        %parallel_loop3A_220 = arith.index_cast %parallel_loop3A_201 : i32 to index
        %parallel_loop3A_221 = arith.constant 32 : index
        %parallel_loop3A_222 = tpu.vector_load %arg6[%parallel_loop3A_220, %parallel_loop3A_221] {strides = array<i32>} : memref<128x64xf32, #tpu.memory_space<vmem>>, vector<16xf32>,
        %parallel_loop3A_223 = arith.constant 8.000000e+00 : f32
        %parallel_loop3A_224 = vector.broadcast %parallel_loop3A_223 : f32 to vector<16xf32>
        %parallel_loop3A_225 = arith.mulf %parallel_loop3A_222, %parallel_loop3A_224 : vector<16xf32>
        %parallel_loop3A_226 = arith.index_cast %parallel_loop3A_201 : i32 to index
        %parallel_loop3A_227 = arith.constant 160 : index
        %parallel_loop3A_228 = tpu.vector_load %arg8[%parallel_loop3A_226, %parallel_loop3A_227] {strides = array<i32>} : memref<128x256xf32, #tpu.memory_space<vmem>>, vector<16xf32>,
        tpu.vector_store %arg8[%parallel_loop3A_226, %parallel_loop3A_227], %parallel_loop3A_225 {strides = array<i32>} : memref<128x256xf32, #tpu.memory_space<vmem>>, vector<16xf32>,
        %parallel_loop3A_229 = arith.index_cast %parallel_loop3A_201 : i32 to index
        %parallel_loop3A_230 = arith.constant 48 : index
        %parallel_loop3A_231 = tpu.vector_load %arg6[%parallel_loop3A_229, %parallel_loop3A_230] {strides = array<i32>} : memref<128x64xf32, #tpu.memory_space<vmem>>, vector<16xf32>,
        %parallel_loop3A_232 = arith.constant 8.000000e+00 : f32
        %parallel_loop3A_233 = vector.broadcast %parallel_loop3A_232 : f32 to vector<16xf32>
        %parallel_loop3A_234 = arith.mulf %parallel_loop3A_231, %parallel_loop3A_233 : vector<16xf32>
        %parallel_loop3A_235 = arith.index_cast %parallel_loop3A_201 : i32 to index
        %parallel_loop3A_236 = arith.constant 176 : index
        %parallel_loop3A_237 = tpu.vector_load %arg8[%parallel_loop3A_235, %parallel_loop3A_236] {strides = array<i32>} : memref<128x256xf32, #tpu.memory_space<vmem>>, vector<16xf32>,
        tpu.vector_store %arg8[%parallel_loop3A_235, %parallel_loop3A_236], %parallel_loop3A_234 {strides = array<i32>} : memref<128x256xf32, #tpu.memory_space<vmem>>, vector<16xf32>,
      } {sc.loop_unroll_factor = 8 : i64, sc.parallel_access}
      %lt3A_85 = arith.constant 198 : i32
      %lt3A_86 = arith.cmpi slt, %add3A_75, %lt3A_85 : i32
      %convert_element_type3A_87 = arith.extui %lt3A_86 : i1 to i32
      %cond3A_88 = arith.constant 0 : i32
      %cond3A_89 = arith.cmpi ne, %convert_element_type3A_87, %cond3A_88 : i32
      scf.if %cond3A_89 {
        %add3A_201 = arith.constant 2 : i32
        %add3A_202 = arith.addi %add3A_75, %add3A_201 : i32
        %dma_start3A_203 = arith.constant 0 : i32
        %dma_start3A_204 = tpu.memref_slice %arg5[%add3A_202, %dma_start3A_203] : memref<200x128xi32, #tpu.memory_space<vmem>> -> memref<1x128xi32, #tpu.memory_space<vmem>>
        %dma_start3A_205 = tpu.memref_squeeze %dma_start3A_204 : memref<1x128xi32, #tpu.memory_space<vmem>> -> memref<128xi32, #tpu.memory_space<vmem>>
        %dma_start3A_206 = arith.constant 0 : i32
        %dma_start3A_207 = arith.constant 0 : i32
        %dma_start3A_208 = tpu.memref_slice %arg3[%dma_start3A_206, %dma_start3A_207] : memref<1000000x64xf32, #tpu.memory_space<hbm>> -> memref<1000000x64xf32, #tpu.memory_space<hbm>>
        tpu.enqueue_indirect_dma source(%dma_start3A_208 : memref<1000000x64xf32, #tpu.memory_space<hbm>>) target(%arg6 : memref<128x64xf32, #tpu.memory_space<vmem>>) offsets(%dma_start3A_205 : memref<128xi32, #tpu.memory_space<vmem>>) semaphore(%arg10 : memref<!tpu.dma_semaphore, #tpu.memory_space<semaphore_mem>>)
      } else {
      }
      %mul3A_90 = arith.constant 4 : i32
      %mul3A_91 = arith.muli %add3A_35, %mul3A_90 : i32
      %add3A_92 = arith.constant 3 : i32
      %add3A_93 = arith.addi %mul3A_91, %add3A_92 : i32
      %dma_wait3A_94 = arith.constant 0 : i32
      %dma_wait3A_95 = tpu.memref_slice %arg5[%add3A_93, %dma_wait3A_94] : memref<200x128xi32, #tpu.memory_space<vmem>> -> memref<1x128xi32, #tpu.memory_space<vmem>>
      %dma_wait3A_96 = tpu.memref_squeeze %dma_wait3A_95 : memref<1x128xi32, #tpu.memory_space<vmem>> -> memref<128xi32, #tpu.memory_space<vmem>>
      %dma_wait3A_97 = arith.constant 0 : i32
      %dma_wait3A_98 = arith.constant 0 : i32
      %dma_wait3A_99 = tpu.memref_slice %arg3[%dma_wait3A_97, %dma_wait3A_98] : memref<1000000x64xf32, #tpu.memory_space<hbm>> -> memref<1000000x64xf32, #tpu.memory_space<hbm>>
      tpu.wait_indirect_dma semaphore(%arg11 : memref<!tpu.dma_semaphore, #tpu.memory_space<semaphore_mem>>) src(%dma_wait3A_99 : memref<1000000x64xf32, #tpu.memory_space<hbm>>) dst(%arg7 : memref<128x64xf32, #tpu.memory_space<vmem>>)
      %parallel_loop3A_100 = arith.constant 0 : i32
      %parallel_loop3A_101 = arith.constant 128 : i32
      %parallel_loop3A_102 = arith.constant 1 : i32
      scf.for %parallel_loop3A_201 = %parallel_loop3A_100 to %parallel_loop3A_101 step %parallel_loop3A_102  : i32 {
        %parallel_loop3A_202 = arith.index_cast %parallel_loop3A_201 : i32 to index
        %parallel_loop3A_203 = arith.constant 0 : index
        %parallel_loop3A_204 = tpu.vector_load %arg7[%parallel_loop3A_202, %parallel_loop3A_203] {strides = array<i32>} : memref<128x64xf32, #tpu.memory_space<vmem>>, vector<16xf32>,
        %parallel_loop3A_205 = arith.constant 8.000000e+00 : f32
        %parallel_loop3A_206 = vector.broadcast %parallel_loop3A_205 : f32 to vector<16xf32>
        %parallel_loop3A_207 = arith.mulf %parallel_loop3A_204, %parallel_loop3A_206 : vector<16xf32>
        %parallel_loop3A_208 = arith.index_cast %parallel_loop3A_201 : i32 to index
        %parallel_loop3A_209 = arith.constant 192 : index
        %parallel_loop3A_210 = tpu.vector_load %arg8[%parallel_loop3A_208, %parallel_loop3A_209] {strides = array<i32>} : memref<128x256xf32, #tpu.memory_space<vmem>>, vector<16xf32>,
        tpu.vector_store %arg8[%parallel_loop3A_208, %parallel_loop3A_209], %parallel_loop3A_207 {strides = array<i32>} : memref<128x256xf32, #tpu.memory_space<vmem>>, vector<16xf32>,
        %parallel_loop3A_211 = arith.index_cast %parallel_loop3A_201 : i32 to index
        %parallel_loop3A_212 = arith.constant 16 : index
        %parallel_loop3A_213 = tpu.vector_load %arg7[%parallel_loop3A_211, %parallel_loop3A_212] {strides = array<i32>} : memref<128x64xf32, #tpu.memory_space<vmem>>, vector<16xf32>,
        %parallel_loop3A_214 = arith.constant 8.000000e+00 : f32
        %parallel_loop3A_215 = vector.broadcast %parallel_loop3A_214 : f32 to vector<16xf32>
        %parallel_loop3A_216 = arith.mulf %parallel_loop3A_213, %parallel_loop3A_215 : vector<16xf32>
        %parallel_loop3A_217 = arith.index_cast %parallel_loop3A_201 : i32 to index
        %parallel_loop3A_218 = arith.constant 208 : index
        %parallel_loop3A_219 = tpu.vector_load %arg8[%parallel_loop3A_217, %parallel_loop3A_218] {strides = array<i32>} : memref<128x256xf32, #tpu.memory_space<vmem>>, vector<16xf32>,
        tpu.vector_store %arg8[%parallel_loop3A_217, %parallel_loop3A_218], %parallel_loop3A_216 {strides = array<i32>} : memref<128x256xf32, #tpu.memory_space<vmem>>, vector<16xf32>,
        %parallel_loop3A_220 = arith.index_cast %parallel_loop3A_201 : i32 to index
        %parallel_loop3A_221 = arith.constant 32 : index
        %parallel_loop3A_222 = tpu.vector_load %arg7[%parallel_loop3A_220, %parallel_loop3A_221] {strides = array<i32>} : memref<128x64xf32, #tpu.memory_space<vmem>>, vector<16xf32>,
        %parallel_loop3A_223 = arith.constant 8.000000e+00 : f32
        %parallel_loop3A_224 = vector.broadcast %parallel_loop3A_223 : f32 to vector<16xf32>
        %parallel_loop3A_225 = arith.mulf %parallel_loop3A_222, %parallel_loop3A_224 : vector<16xf32>
        %parallel_loop3A_226 = arith.index_cast %parallel_loop3A_201 : i32 to index
        %parallel_loop3A_227 = arith.constant 224 : index
        %parallel_loop3A_228 = tpu.vector_load %arg8[%parallel_loop3A_226, %parallel_loop3A_227] {strides = array<i32>} : memref<128x256xf32, #tpu.memory_space<vmem>>, vector<16xf32>,
        tpu.vector_store %arg8[%parallel_loop3A_226, %parallel_loop3A_227], %parallel_loop3A_225 {strides = array<i32>} : memref<128x256xf32, #tpu.memory_space<vmem>>, vector<16xf32>,
        %parallel_loop3A_229 = arith.index_cast %parallel_loop3A_201 : i32 to index
        %parallel_loop3A_230 = arith.constant 48 : index
        %parallel_loop3A_231 = tpu.vector_load %arg7[%parallel_loop3A_229, %parallel_loop3A_230] {strides = array<i32>} : memref<128x64xf32, #tpu.memory_space<vmem>>, vector<16xf32>,
        %parallel_loop3A_232 = arith.constant 8.000000e+00 : f32
        %parallel_loop3A_233 = vector.broadcast %parallel_loop3A_232 : f32 to vector<16xf32>
        %parallel_loop3A_234 = arith.mulf %parallel_loop3A_231, %parallel_loop3A_233 : vector<16xf32>
        %parallel_loop3A_235 = arith.index_cast %parallel_loop3A_201 : i32 to index
        %parallel_loop3A_236 = arith.constant 240 : index
        %parallel_loop3A_237 = tpu.vector_load %arg8[%parallel_loop3A_235, %parallel_loop3A_236] {strides = array<i32>} : memref<128x256xf32, #tpu.memory_space<vmem>>, vector<16xf32>,
        tpu.vector_store %arg8[%parallel_loop3A_235, %parallel_loop3A_236], %parallel_loop3A_234 {strides = array<i32>} : memref<128x256xf32, #tpu.memory_space<vmem>>, vector<16xf32>,
      } {sc.loop_unroll_factor = 8 : i64, sc.parallel_access}
      %lt3A_103 = arith.constant 198 : i32
      %lt3A_104 = arith.cmpi slt, %add3A_93, %lt3A_103 : i32
      %convert_element_type3A_105 = arith.extui %lt3A_104 : i1 to i32
      %cond3A_106 = arith.constant 0 : i32
      %cond3A_107 = arith.cmpi ne, %convert_element_type3A_105, %cond3A_106 : i32
      scf.if %cond3A_107 {
        %add3A_201 = arith.constant 2 : i32
        %add3A_202 = arith.addi %add3A_93, %add3A_201 : i32
        %dma_start3A_203 = arith.constant 0 : i32
        %dma_start3A_204 = tpu.memref_slice %arg5[%add3A_202, %dma_start3A_203] : memref<200x128xi32, #tpu.memory_space<vmem>> -> memref<1x128xi32, #tpu.memory_space<vmem>>
        %dma_start3A_205 = tpu.memref_squeeze %dma_start3A_204 : memref<1x128xi32, #tpu.memory_space<vmem>> -> memref<128xi32, #tpu.memory_space<vmem>>
        %dma_start3A_206 = arith.constant 0 : i32
        %dma_start3A_207 = arith.constant 0 : i32
        %dma_start3A_208 = tpu.memref_slice %arg3[%dma_start3A_206, %dma_start3A_207] : memref<1000000x64xf32, #tpu.memory_space<hbm>> -> memref<1000000x64xf32, #tpu.memory_space<hbm>>
        tpu.enqueue_indirect_dma source(%dma_start3A_208 : memref<1000000x64xf32, #tpu.memory_space<hbm>>) target(%arg7 : memref<128x64xf32, #tpu.memory_space<vmem>>) offsets(%dma_start3A_205 : memref<128xi32, #tpu.memory_space<vmem>>) semaphore(%arg11 : memref<!tpu.dma_semaphore, #tpu.memory_space<semaphore_mem>>)
      } else {
      }
      %mul3A_108 = arith.constant 4 : i32
      %mul3A_109 = arith.muli %add3A_35, %mul3A_108 : i32
      %mul3A_110 = arith.constant 64 : i32
      %mul3A_111 = arith.muli %mul3A_109, %mul3A_110 : i32
      %dma_start3A_112 = tpu.memref_slice %arg4[%mul3A_2, %mul3A_111] : memref<4096x12800xf32, #tpu.memory_space<hbm>> -> memref<128x256xf32, #tpu.memory_space<hbm>>
      %dma_start3A_113 = tpu.memref_slice %arg4[%mul3A_2, %mul3A_111] : memref<4096x12800xf32, #tpu.memory_space<hbm>> -> memref<128x256xf32, #tpu.memory_space<hbm>>
      tpu.enqueue_dma source(%arg8 : memref<128x256xf32, #tpu.memory_space<vmem>>) target(%dma_start3A_113 : memref<128x256xf32, #tpu.memory_space<hbm>>) target_semaphore(%arg12 : memref<!tpu.dma_semaphore, #tpu.memory_space<semaphore_mem>>)
      %mul3A_114 = arith.constant 2 : i32
      %mul3A_115 = arith.muli %add3A_31, %mul3A_114 : i32
      %add3A_116 = arith.constant 1 : i32
      %add3A_117 = arith.addi %mul3A_115, %add3A_116 : i32
      %gt3A_118 = arith.constant 0 : i32
      %gt3A_119 = arith.cmpi sgt, %add3A_31, %gt3A_118 : i32
      %convert_element_type3A_120 = arith.extui %gt3A_119 : i1 to i32
      %cond3A_121 = arith.constant 0 : i32
      %cond3A_122 = arith.cmpi ne, %convert_element_type3A_120, %cond3A_121 : i32
      scf.if %cond3A_122 {
        %sub3A = arith.constant 2 : i32
        %sub3A_201 = arith.subi %add3A_117, %sub3A : i32
        %mul3A_202 = arith.constant 4 : i32
        %mul3A_203 = arith.muli %sub3A_201, %mul3A_202 : i32
        %mul3A_204 = arith.constant 64 : i32
        %mul3A_205 = arith.muli %mul3A_203, %mul3A_204 : i32
        %dma_wait3A_206 = tpu.memref_slice %arg4[%mul3A_2, %mul3A_205] : memref<4096x12800xf32, #tpu.memory_space<hbm>> -> memref<128x256xf32, #tpu.memory_space<hbm>>
        %dma_wait3A_207 = tpu.memref_slice %arg4[%mul3A_2, %mul3A_205] : memref<4096x12800xf32, #tpu.memory_space<hbm>> -> memref<128x256xf32, #tpu.memory_space<hbm>>
        tpu.wait_dma2 semaphore(%arg13 : memref<!tpu.dma_semaphore, #tpu.memory_space<semaphore_mem>>) src(%arg9 : memref<128x256xf32, #tpu.memory_space<vmem>>) dst(%dma_wait3A_207 : memref<128x256xf32, #tpu.memory_space<hbm>>)
      } else {
      }
      %mul3A_123 = arith.constant 4 : i32
      %mul3A_124 = arith.muli %add3A_117, %mul3A_123 : i32
      %add3A_125 = arith.constant 0 : i32
      %add3A_126 = arith.addi %mul3A_124, %add3A_125 : i32
      %dma_wait3A_127 = arith.constant 0 : i32
      %dma_wait3A_128 = tpu.memref_slice %arg5[%add3A_126, %dma_wait3A_127] : memref<200x128xi32, #tpu.memory_space<vmem>> -> memref<1x128xi32, #tpu.memory_space<vmem>>
      %dma_wait3A_129 = tpu.memref_squeeze %dma_wait3A_128 : memref<1x128xi32, #tpu.memory_space<vmem>> -> memref<128xi32, #tpu.memory_space<vmem>>
      %dma_wait3A_130 = arith.constant 0 : i32
      %dma_wait3A_131 = arith.constant 0 : i32
      %dma_wait3A_132 = tpu.memref_slice %arg3[%dma_wait3A_130, %dma_wait3A_131] : memref<1000000x64xf32, #tpu.memory_space<hbm>> -> memref<1000000x64xf32, #tpu.memory_space<hbm>>
      tpu.wait_indirect_dma semaphore(%arg10 : memref<!tpu.dma_semaphore, #tpu.memory_space<semaphore_mem>>) src(%dma_wait3A_132 : memref<1000000x64xf32, #tpu.memory_space<hbm>>) dst(%arg6 : memref<128x64xf32, #tpu.memory_space<vmem>>)
      %parallel_loop3A_133 = arith.constant 0 : i32
      %parallel_loop3A_134 = arith.constant 128 : i32
      %parallel_loop3A_135 = arith.constant 1 : i32
      scf.for %parallel_loop3A_201 = %parallel_loop3A_133 to %parallel_loop3A_134 step %parallel_loop3A_135  : i32 {
        %parallel_loop3A_202 = arith.index_cast %parallel_loop3A_201 : i32 to index
        %parallel_loop3A_203 = arith.constant 0 : index
        %parallel_loop3A_204 = tpu.vector_load %arg6[%parallel_loop3A_202, %parallel_loop3A_203] {strides = array<i32>} : memref<128x64xf32, #tpu.memory_space<vmem>>, vector<16xf32>,
        %parallel_loop3A_205 = arith.constant 8.000000e+00 : f32
        %parallel_loop3A_206 = vector.broadcast %parallel_loop3A_205 : f32 to vector<16xf32>
        %parallel_loop3A_207 = arith.mulf %parallel_loop3A_204, %parallel_loop3A_206 : vector<16xf32>
        %parallel_loop3A_208 = arith.index_cast %parallel_loop3A_201 : i32 to index
        %parallel_loop3A_209 = arith.constant 0 : index
        %parallel_loop3A_210 = tpu.vector_load %arg9[%parallel_loop3A_208, %parallel_loop3A_209] {strides = array<i32>} : memref<128x256xf32, #tpu.memory_space<vmem>>, vector<16xf32>,
        tpu.vector_store %arg9[%parallel_loop3A_208, %parallel_loop3A_209], %parallel_loop3A_207 {strides = array<i32>} : memref<128x256xf32, #tpu.memory_space<vmem>>, vector<16xf32>,
        %parallel_loop3A_211 = arith.index_cast %parallel_loop3A_201 : i32 to index
        %parallel_loop3A_212 = arith.constant 16 : index
        %parallel_loop3A_213 = tpu.vector_load %arg6[%parallel_loop3A_211, %parallel_loop3A_212] {strides = array<i32>} : memref<128x64xf32, #tpu.memory_space<vmem>>, vector<16xf32>,
        %parallel_loop3A_214 = arith.constant 8.000000e+00 : f32
        %parallel_loop3A_215 = vector.broadcast %parallel_loop3A_214 : f32 to vector<16xf32>
        %parallel_loop3A_216 = arith.mulf %parallel_loop3A_213, %parallel_loop3A_215 : vector<16xf32>
        %parallel_loop3A_217 = arith.index_cast %parallel_loop3A_201 : i32 to index
        %parallel_loop3A_218 = arith.constant 16 : index
        %parallel_loop3A_219 = tpu.vector_load %arg9[%parallel_loop3A_217, %parallel_loop3A_218] {strides = array<i32>} : memref<128x256xf32, #tpu.memory_space<vmem>>, vector<16xf32>,
        tpu.vector_store %arg9[%parallel_loop3A_217, %parallel_loop3A_218], %parallel_loop3A_216 {strides = array<i32>} : memref<128x256xf32, #tpu.memory_space<vmem>>, vector<16xf32>,
        %parallel_loop3A_220 = arith.index_cast %parallel_loop3A_201 : i32 to index
        %parallel_loop3A_221 = arith.constant 32 : index
        %parallel_loop3A_222 = tpu.vector_load %arg6[%parallel_loop3A_220, %parallel_loop3A_221] {strides = array<i32>} : memref<128x64xf32, #tpu.memory_space<vmem>>, vector<16xf32>,
        %parallel_loop3A_223 = arith.constant 8.000000e+00 : f32
        %parallel_loop3A_224 = vector.broadcast %parallel_loop3A_223 : f32 to vector<16xf32>
        %parallel_loop3A_225 = arith.mulf %parallel_loop3A_222, %parallel_loop3A_224 : vector<16xf32>
        %parallel_loop3A_226 = arith.index_cast %parallel_loop3A_201 : i32 to index
        %parallel_loop3A_227 = arith.constant 32 : index
        %parallel_loop3A_228 = tpu.vector_load %arg9[%parallel_loop3A_226, %parallel_loop3A_227] {strides = array<i32>} : memref<128x256xf32, #tpu.memory_space<vmem>>, vector<16xf32>,
        tpu.vector_store %arg9[%parallel_loop3A_226, %parallel_loop3A_227], %parallel_loop3A_225 {strides = array<i32>} : memref<128x256xf32, #tpu.memory_space<vmem>>, vector<16xf32>,
        %parallel_loop3A_229 = arith.index_cast %parallel_loop3A_201 : i32 to index
        %parallel_loop3A_230 = arith.constant 48 : index
        %parallel_loop3A_231 = tpu.vector_load %arg6[%parallel_loop3A_229, %parallel_loop3A_230] {strides = array<i32>} : memref<128x64xf32, #tpu.memory_space<vmem>>, vector<16xf32>,
        %parallel_loop3A_232 = arith.constant 8.000000e+00 : f32
        %parallel_loop3A_233 = vector.broadcast %parallel_loop3A_232 : f32 to vector<16xf32>
        %parallel_loop3A_234 = arith.mulf %parallel_loop3A_231, %parallel_loop3A_233 : vector<16xf32>
        %parallel_loop3A_235 = arith.index_cast %parallel_loop3A_201 : i32 to index
        %parallel_loop3A_236 = arith.constant 48 : index
        %parallel_loop3A_237 = tpu.vector_load %arg9[%parallel_loop3A_235, %parallel_loop3A_236] {strides = array<i32>} : memref<128x256xf32, #tpu.memory_space<vmem>>, vector<16xf32>,
        tpu.vector_store %arg9[%parallel_loop3A_235, %parallel_loop3A_236], %parallel_loop3A_234 {strides = array<i32>} : memref<128x256xf32, #tpu.memory_space<vmem>>, vector<16xf32>,
      } {sc.loop_unroll_factor = 8 : i64, sc.parallel_access}
      %lt3A_136 = arith.constant 198 : i32
      %lt3A_137 = arith.cmpi slt, %add3A_126, %lt3A_136 : i32
      %convert_element_type3A_138 = arith.extui %lt3A_137 : i1 to i32
      %cond3A_139 = arith.constant 0 : i32
      %cond3A_140 = arith.cmpi ne, %convert_element_type3A_138, %cond3A_139 : i32
      scf.if %cond3A_140 {
        %add3A_201 = arith.constant 2 : i32
        %add3A_202 = arith.addi %add3A_126, %add3A_201 : i32
        %dma_start3A_203 = arith.constant 0 : i32
        %dma_start3A_204 = tpu.memref_slice %arg5[%add3A_202, %dma_start3A_203] : memref<200x128xi32, #tpu.memory_space<vmem>> -> memref<1x128xi32, #tpu.memory_space<vmem>>
        %dma_start3A_205 = tpu.memref_squeeze %dma_start3A_204 : memref<1x128xi32, #tpu.memory_space<vmem>> -> memref<128xi32, #tpu.memory_space<vmem>>
        %dma_start3A_206 = arith.constant 0 : i32
        %dma_start3A_207 = arith.constant 0 : i32
        %dma_start3A_208 = tpu.memref_slice %arg3[%dma_start3A_206, %dma_start3A_207] : memref<1000000x64xf32, #tpu.memory_space<hbm>> -> memref<1000000x64xf32, #tpu.memory_space<hbm>>
        tpu.enqueue_indirect_dma source(%dma_start3A_208 : memref<1000000x64xf32, #tpu.memory_space<hbm>>) target(%arg6 : memref<128x64xf32, #tpu.memory_space<vmem>>) offsets(%dma_start3A_205 : memref<128xi32, #tpu.memory_space<vmem>>) semaphore(%arg10 : memref<!tpu.dma_semaphore, #tpu.memory_space<semaphore_mem>>)
      } else {
      }
      %mul3A_141 = arith.constant 4 : i32
      %mul3A_142 = arith.muli %add3A_117, %mul3A_141 : i32
      %add3A_143 = arith.constant 1 : i32
      %add3A_144 = arith.addi %mul3A_142, %add3A_143 : i32
      %dma_wait3A_145 = arith.constant 0 : i32
      %dma_wait3A_146 = tpu.memref_slice %arg5[%add3A_144, %dma_wait3A_145] : memref<200x128xi32, #tpu.memory_space<vmem>> -> memref<1x128xi32, #tpu.memory_space<vmem>>
      %dma_wait3A_147 = tpu.memref_squeeze %dma_wait3A_146 : memref<1x128xi32, #tpu.memory_space<vmem>> -> memref<128xi32, #tpu.memory_space<vmem>>
      %dma_wait3A_148 = arith.constant 0 : i32
      %dma_wait3A_149 = arith.constant 0 : i32
      %dma_wait3A_150 = tpu.memref_slice %arg3[%dma_wait3A_148, %dma_wait3A_149] : memref<1000000x64xf32, #tpu.memory_space<hbm>> -> memref<1000000x64xf32, #tpu.memory_space<hbm>>
      tpu.wait_indirect_dma semaphore(%arg11 : memref<!tpu.dma_semaphore, #tpu.memory_space<semaphore_mem>>) src(%dma_wait3A_150 : memref<1000000x64xf32, #tpu.memory_space<hbm>>) dst(%arg7 : memref<128x64xf32, #tpu.memory_space<vmem>>)
      %parallel_loop3A_151 = arith.constant 0 : i32
      %parallel_loop3A_152 = arith.constant 128 : i32
      %parallel_loop3A_153 = arith.constant 1 : i32
      scf.for %parallel_loop3A_201 = %parallel_loop3A_151 to %parallel_loop3A_152 step %parallel_loop3A_153  : i32 {
        %parallel_loop3A_202 = arith.index_cast %parallel_loop3A_201 : i32 to index
        %parallel_loop3A_203 = arith.constant 0 : index
        %parallel_loop3A_204 = tpu.vector_load %arg7[%parallel_loop3A_202, %parallel_loop3A_203] {strides = array<i32>} : memref<128x64xf32, #tpu.memory_space<vmem>>, vector<16xf32>,
        %parallel_loop3A_205 = arith.constant 8.000000e+00 : f32
        %parallel_loop3A_206 = vector.broadcast %parallel_loop3A_205 : f32 to vector<16xf32>
        %parallel_loop3A_207 = arith.mulf %parallel_loop3A_204, %parallel_loop3A_206 : vector<16xf32>
        %parallel_loop3A_208 = arith.index_cast %parallel_loop3A_201 : i32 to index
        %parallel_loop3A_209 = arith.constant 64 : index
        %parallel_loop3A_210 = tpu.vector_load %arg9[%parallel_loop3A_208, %parallel_loop3A_209] {strides = array<i32>} : memref<128x256xf32, #tpu.memory_space<vmem>>, vector<16xf32>,
        tpu.vector_store %arg9[%parallel_loop3A_208, %parallel_loop3A_209], %parallel_loop3A_207 {strides = array<i32>} : memref<128x256xf32, #tpu.memory_space<vmem>>, vector<16xf32>,
        %parallel_loop3A_211 = arith.index_cast %parallel_loop3A_201 : i32 to index
        %parallel_loop3A_212 = arith.constant 16 : index
        %parallel_loop3A_213 = tpu.vector_load %arg7[%parallel_loop3A_211, %parallel_loop3A_212] {strides = array<i32>} : memref<128x64xf32, #tpu.memory_space<vmem>>, vector<16xf32>,
        %parallel_loop3A_214 = arith.constant 8.000000e+00 : f32
        %parallel_loop3A_215 = vector.broadcast %parallel_loop3A_214 : f32 to vector<16xf32>
        %parallel_loop3A_216 = arith.mulf %parallel_loop3A_213, %parallel_loop3A_215 : vector<16xf32>
        %parallel_loop3A_217 = arith.index_cast %parallel_loop3A_201 : i32 to index
        %parallel_loop3A_218 = arith.constant 80 : index
        %parallel_loop3A_219 = tpu.vector_load %arg9[%parallel_loop3A_217, %parallel_loop3A_218] {strides = array<i32>} : memref<128x256xf32, #tpu.memory_space<vmem>>, vector<16xf32>,
        tpu.vector_store %arg9[%parallel_loop3A_217, %parallel_loop3A_218], %parallel_loop3A_216 {strides = array<i32>} : memref<128x256xf32, #tpu.memory_space<vmem>>, vector<16xf32>,
        %parallel_loop3A_220 = arith.index_cast %parallel_loop3A_201 : i32 to index
        %parallel_loop3A_221 = arith.constant 32 : index
        %parallel_loop3A_222 = tpu.vector_load %arg7[%parallel_loop3A_220, %parallel_loop3A_221] {strides = array<i32>} : memref<128x64xf32, #tpu.memory_space<vmem>>, vector<16xf32>,
        %parallel_loop3A_223 = arith.constant 8.000000e+00 : f32
        %parallel_loop3A_224 = vector.broadcast %parallel_loop3A_223 : f32 to vector<16xf32>
        %parallel_loop3A_225 = arith.mulf %parallel_loop3A_222, %parallel_loop3A_224 : vector<16xf32>
        %parallel_loop3A_226 = arith.index_cast %parallel_loop3A_201 : i32 to index
        %parallel_loop3A_227 = arith.constant 96 : index
        %parallel_loop3A_228 = tpu.vector_load %arg9[%parallel_loop3A_226, %parallel_loop3A_227] {strides = array<i32>} : memref<128x256xf32, #tpu.memory_space<vmem>>, vector<16xf32>,
        tpu.vector_store %arg9[%parallel_loop3A_226, %parallel_loop3A_227], %parallel_loop3A_225 {strides = array<i32>} : memref<128x256xf32, #tpu.memory_space<vmem>>, vector<16xf32>,
        %parallel_loop3A_229 = arith.index_cast %parallel_loop3A_201 : i32 to index
        %parallel_loop3A_230 = arith.constant 48 : index
        %parallel_loop3A_231 = tpu.vector_load %arg7[%parallel_loop3A_229, %parallel_loop3A_230] {strides = array<i32>} : memref<128x64xf32, #tpu.memory_space<vmem>>, vector<16xf32>,
        %parallel_loop3A_232 = arith.constant 8.000000e+00 : f32
        %parallel_loop3A_233 = vector.broadcast %parallel_loop3A_232 : f32 to vector<16xf32>
        %parallel_loop3A_234 = arith.mulf %parallel_loop3A_231, %parallel_loop3A_233 : vector<16xf32>
        %parallel_loop3A_235 = arith.index_cast %parallel_loop3A_201 : i32 to index
        %parallel_loop3A_236 = arith.constant 112 : index
        %parallel_loop3A_237 = tpu.vector_load %arg9[%parallel_loop3A_235, %parallel_loop3A_236] {strides = array<i32>} : memref<128x256xf32, #tpu.memory_space<vmem>>, vector<16xf32>,
        tpu.vector_store %arg9[%parallel_loop3A_235, %parallel_loop3A_236], %parallel_loop3A_234 {strides = array<i32>} : memref<128x256xf32, #tpu.memory_space<vmem>>, vector<16xf32>,
      } {sc.loop_unroll_factor = 8 : i64, sc.parallel_access}
      %lt3A_154 = arith.constant 198 : i32
      %lt3A_155 = arith.cmpi slt, %add3A_144, %lt3A_154 : i32
      %convert_element_type3A_156 = arith.extui %lt3A_155 : i1 to i32
      %cond3A_157 = arith.constant 0 : i32
      %cond3A_158 = arith.cmpi ne, %convert_element_type3A_156, %cond3A_157 : i32
      scf.if %cond3A_158 {
        %add3A_201 = arith.constant 2 : i32
        %add3A_202 = arith.addi %add3A_144, %add3A_201 : i32
        %dma_start3A_203 = arith.constant 0 : i32
        %dma_start3A_204 = tpu.memref_slice %arg5[%add3A_202, %dma_start3A_203] : memref<200x128xi32, #tpu.memory_space<vmem>> -> memref<1x128xi32, #tpu.memory_space<vmem>>
        %dma_start3A_205 = tpu.memref_squeeze %dma_start3A_204 : memref<1x128xi32, #tpu.memory_space<vmem>> -> memref<128xi32, #tpu.memory_space<vmem>>
        %dma_start3A_206 = arith.constant 0 : i32
        %dma_start3A_207 = arith.constant 0 : i32
        %dma_start3A_208 = tpu.memref_slice %arg3[%dma_start3A_206, %dma_start3A_207] : memref<1000000x64xf32, #tpu.memory_space<hbm>> -> memref<1000000x64xf32, #tpu.memory_space<hbm>>
        tpu.enqueue_indirect_dma source(%dma_start3A_208 : memref<1000000x64xf32, #tpu.memory_space<hbm>>) target(%arg7 : memref<128x64xf32, #tpu.memory_space<vmem>>) offsets(%dma_start3A_205 : memref<128xi32, #tpu.memory_space<vmem>>) semaphore(%arg11 : memref<!tpu.dma_semaphore, #tpu.memory_space<semaphore_mem>>)
      } else {
      }
      %mul3A_159 = arith.constant 4 : i32
      %mul3A_160 = arith.muli %add3A_117, %mul3A_159 : i32
      %add3A_161 = arith.constant 2 : i32
      %add3A_162 = arith.addi %mul3A_160, %add3A_161 : i32
      %dma_wait3A_163 = arith.constant 0 : i32
      %dma_wait3A_164 = tpu.memref_slice %arg5[%add3A_162, %dma_wait3A_163] : memref<200x128xi32, #tpu.memory_space<vmem>> -> memref<1x128xi32, #tpu.memory_space<vmem>>
      %dma_wait3A_165 = tpu.memref_squeeze %dma_wait3A_164 : memref<1x128xi32, #tpu.memory_space<vmem>> -> memref<128xi32, #tpu.memory_space<vmem>>
      %dma_wait3A_166 = arith.constant 0 : i32
      %dma_wait3A_167 = arith.constant 0 : i32
      %dma_wait3A_168 = tpu.memref_slice %arg3[%dma_wait3A_166, %dma_wait3A_167] : memref<1000000x64xf32, #tpu.memory_space<hbm>> -> memref<1000000x64xf32, #tpu.memory_space<hbm>>
      tpu.wait_indirect_dma semaphore(%arg10 : memref<!tpu.dma_semaphore, #tpu.memory_space<semaphore_mem>>) src(%dma_wait3A_168 : memref<1000000x64xf32, #tpu.memory_space<hbm>>) dst(%arg6 : memref<128x64xf32, #tpu.memory_space<vmem>>)
      %parallel_loop3A_169 = arith.constant 0 : i32
      %parallel_loop3A_170 = arith.constant 128 : i32
      %parallel_loop3A_171 = arith.constant 1 : i32
      scf.for %parallel_loop3A_201 = %parallel_loop3A_169 to %parallel_loop3A_170 step %parallel_loop3A_171  : i32 {
        %parallel_loop3A_202 = arith.index_cast %parallel_loop3A_201 : i32 to index
        %parallel_loop3A_203 = arith.constant 0 : index
        %parallel_loop3A_204 = tpu.vector_load %arg6[%parallel_loop3A_202, %parallel_loop3A_203] {strides = array<i32>} : memref<128x64xf32, #tpu.memory_space<vmem>>, vector<16xf32>,
        %parallel_loop3A_205 = arith.constant 8.000000e+00 : f32
        %parallel_loop3A_206 = vector.broadcast %parallel_loop3A_205 : f32 to vector<16xf32>
        %parallel_loop3A_207 = arith.mulf %parallel_loop3A_204, %parallel_loop3A_206 : vector<16xf32>
        %parallel_loop3A_208 = arith.index_cast %parallel_loop3A_201 : i32 to index
        %parallel_loop3A_209 = arith.constant 128 : index
        %parallel_loop3A_210 = tpu.vector_load %arg9[%parallel_loop3A_208, %parallel_loop3A_209] {strides = array<i32>} : memref<128x256xf32, #tpu.memory_space<vmem>>, vector<16xf32>,
        tpu.vector_store %arg9[%parallel_loop3A_208, %parallel_loop3A_209], %parallel_loop3A_207 {strides = array<i32>} : memref<128x256xf32, #tpu.memory_space<vmem>>, vector<16xf32>,
        %parallel_loop3A_211 = arith.index_cast %parallel_loop3A_201 : i32 to index
        %parallel_loop3A_212 = arith.constant 16 : index
        %parallel_loop3A_213 = tpu.vector_load %arg6[%parallel_loop3A_211, %parallel_loop3A_212] {strides = array<i32>} : memref<128x64xf32, #tpu.memory_space<vmem>>, vector<16xf32>,
        %parallel_loop3A_214 = arith.constant 8.000000e+00 : f32
        %parallel_loop3A_215 = vector.broadcast %parallel_loop3A_214 : f32 to vector<16xf32>
        %parallel_loop3A_216 = arith.mulf %parallel_loop3A_213, %parallel_loop3A_215 : vector<16xf32>
        %parallel_loop3A_217 = arith.index_cast %parallel_loop3A_201 : i32 to index
        %parallel_loop3A_218 = arith.constant 144 : index
        %parallel_loop3A_219 = tpu.vector_load %arg9[%parallel_loop3A_217, %parallel_loop3A_218] {strides = array<i32>} : memref<128x256xf32, #tpu.memory_space<vmem>>, vector<16xf32>,
        tpu.vector_store %arg9[%parallel_loop3A_217, %parallel_loop3A_218], %parallel_loop3A_216 {strides = array<i32>} : memref<128x256xf32, #tpu.memory_space<vmem>>, vector<16xf32>,
        %parallel_loop3A_220 = arith.index_cast %parallel_loop3A_201 : i32 to index
        %parallel_loop3A_221 = arith.constant 32 : index
        %parallel_loop3A_222 = tpu.vector_load %arg6[%parallel_loop3A_220, %parallel_loop3A_221] {strides = array<i32>} : memref<128x64xf32, #tpu.memory_space<vmem>>, vector<16xf32>,
        %parallel_loop3A_223 = arith.constant 8.000000e+00 : f32
        %parallel_loop3A_224 = vector.broadcast %parallel_loop3A_223 : f32 to vector<16xf32>
        %parallel_loop3A_225 = arith.mulf %parallel_loop3A_222, %parallel_loop3A_224 : vector<16xf32>
        %parallel_loop3A_226 = arith.index_cast %parallel_loop3A_201 : i32 to index
        %parallel_loop3A_227 = arith.constant 160 : index
        %parallel_loop3A_228 = tpu.vector_load %arg9[%parallel_loop3A_226, %parallel_loop3A_227] {strides = array<i32>} : memref<128x256xf32, #tpu.memory_space<vmem>>, vector<16xf32>,
        tpu.vector_store %arg9[%parallel_loop3A_226, %parallel_loop3A_227], %parallel_loop3A_225 {strides = array<i32>} : memref<128x256xf32, #tpu.memory_space<vmem>>, vector<16xf32>,
        %parallel_loop3A_229 = arith.index_cast %parallel_loop3A_201 : i32 to index
        %parallel_loop3A_230 = arith.constant 48 : index
        %parallel_loop3A_231 = tpu.vector_load %arg6[%parallel_loop3A_229, %parallel_loop3A_230] {strides = array<i32>} : memref<128x64xf32, #tpu.memory_space<vmem>>, vector<16xf32>,
        %parallel_loop3A_232 = arith.constant 8.000000e+00 : f32
        %parallel_loop3A_233 = vector.broadcast %parallel_loop3A_232 : f32 to vector<16xf32>
        %parallel_loop3A_234 = arith.mulf %parallel_loop3A_231, %parallel_loop3A_233 : vector<16xf32>
        %parallel_loop3A_235 = arith.index_cast %parallel_loop3A_201 : i32 to index
        %parallel_loop3A_236 = arith.constant 176 : index
        %parallel_loop3A_237 = tpu.vector_load %arg9[%parallel_loop3A_235, %parallel_loop3A_236] {strides = array<i32>} : memref<128x256xf32, #tpu.memory_space<vmem>>, vector<16xf32>,
        tpu.vector_store %arg9[%parallel_loop3A_235, %parallel_loop3A_236], %parallel_loop3A_234 {strides = array<i32>} : memref<128x256xf32, #tpu.memory_space<vmem>>, vector<16xf32>,
      } {sc.loop_unroll_factor = 8 : i64, sc.parallel_access}
      %lt3A_172 = arith.constant 198 : i32
      %lt3A_173 = arith.cmpi slt, %add3A_162, %lt3A_172 : i32
      %convert_element_type3A_174 = arith.extui %lt3A_173 : i1 to i32
      %cond3A_175 = arith.constant 0 : i32
      %cond3A_176 = arith.cmpi ne, %convert_element_type3A_174, %cond3A_175 : i32
      scf.if %cond3A_176 {
        %add3A_201 = arith.constant 2 : i32
        %add3A_202 = arith.addi %add3A_162, %add3A_201 : i32
        %dma_start3A_203 = arith.constant 0 : i32
        %dma_start3A_204 = tpu.memref_slice %arg5[%add3A_202, %dma_start3A_203] : memref<200x128xi32, #tpu.memory_space<vmem>> -> memref<1x128xi32, #tpu.memory_space<vmem>>
        %dma_start3A_205 = tpu.memref_squeeze %dma_start3A_204 : memref<1x128xi32, #tpu.memory_space<vmem>> -> memref<128xi32, #tpu.memory_space<vmem>>
        %dma_start3A_206 = arith.constant 0 : i32
        %dma_start3A_207 = arith.constant 0 : i32
        %dma_start3A_208 = tpu.memref_slice %arg3[%dma_start3A_206, %dma_start3A_207] : memref<1000000x64xf32, #tpu.memory_space<hbm>> -> memref<1000000x64xf32, #tpu.memory_space<hbm>>
        tpu.enqueue_indirect_dma source(%dma_start3A_208 : memref<1000000x64xf32, #tpu.memory_space<hbm>>) target(%arg6 : memref<128x64xf32, #tpu.memory_space<vmem>>) offsets(%dma_start3A_205 : memref<128xi32, #tpu.memory_space<vmem>>) semaphore(%arg10 : memref<!tpu.dma_semaphore, #tpu.memory_space<semaphore_mem>>)
      } else {
      }
      %mul3A_177 = arith.constant 4 : i32
      %mul3A_178 = arith.muli %add3A_117, %mul3A_177 : i32
      %add3A_179 = arith.constant 3 : i32
      %add3A_180 = arith.addi %mul3A_178, %add3A_179 : i32
      %dma_wait3A_181 = arith.constant 0 : i32
      %dma_wait3A_182 = tpu.memref_slice %arg5[%add3A_180, %dma_wait3A_181] : memref<200x128xi32, #tpu.memory_space<vmem>> -> memref<1x128xi32, #tpu.memory_space<vmem>>
      %dma_wait3A_183 = tpu.memref_squeeze %dma_wait3A_182 : memref<1x128xi32, #tpu.memory_space<vmem>> -> memref<128xi32, #tpu.memory_space<vmem>>
      %dma_wait3A_184 = arith.constant 0 : i32
      %dma_wait3A_185 = arith.constant 0 : i32
      %dma_wait3A_186 = tpu.memref_slice %arg3[%dma_wait3A_184, %dma_wait3A_185] : memref<1000000x64xf32, #tpu.memory_space<hbm>> -> memref<1000000x64xf32, #tpu.memory_space<hbm>>
      tpu.wait_indirect_dma semaphore(%arg11 : memref<!tpu.dma_semaphore, #tpu.memory_space<semaphore_mem>>) src(%dma_wait3A_186 : memref<1000000x64xf32, #tpu.memory_space<hbm>>) dst(%arg7 : memref<128x64xf32, #tpu.memory_space<vmem>>)
      %parallel_loop3A_187 = arith.constant 0 : i32
      %parallel_loop3A_188 = arith.constant 128 : i32
      %parallel_loop3A_189 = arith.constant 1 : i32
      scf.for %parallel_loop3A_201 = %parallel_loop3A_187 to %parallel_loop3A_188 step %parallel_loop3A_189  : i32 {
        %parallel_loop3A_202 = arith.index_cast %parallel_loop3A_201 : i32 to index
        %parallel_loop3A_203 = arith.constant 0 : index
        %parallel_loop3A_204 = tpu.vector_load %arg7[%parallel_loop3A_202, %parallel_loop3A_203] {strides = array<i32>} : memref<128x64xf32, #tpu.memory_space<vmem>>, vector<16xf32>,
        %parallel_loop3A_205 = arith.constant 8.000000e+00 : f32
        %parallel_loop3A_206 = vector.broadcast %parallel_loop3A_205 : f32 to vector<16xf32>
        %parallel_loop3A_207 = arith.mulf %parallel_loop3A_204, %parallel_loop3A_206 : vector<16xf32>
        %parallel_loop3A_208 = arith.index_cast %parallel_loop3A_201 : i32 to index
        %parallel_loop3A_209 = arith.constant 192 : index
        %parallel_loop3A_210 = tpu.vector_load %arg9[%parallel_loop3A_208, %parallel_loop3A_209] {strides = array<i32>} : memref<128x256xf32, #tpu.memory_space<vmem>>, vector<16xf32>,
        tpu.vector_store %arg9[%parallel_loop3A_208, %parallel_loop3A_209], %parallel_loop3A_207 {strides = array<i32>} : memref<128x256xf32, #tpu.memory_space<vmem>>, vector<16xf32>,
        %parallel_loop3A_211 = arith.index_cast %parallel_loop3A_201 : i32 to index
        %parallel_loop3A_212 = arith.constant 16 : index
        %parallel_loop3A_213 = tpu.vector_load %arg7[%parallel_loop3A_211, %parallel_loop3A_212] {strides = array<i32>} : memref<128x64xf32, #tpu.memory_space<vmem>>, vector<16xf32>,
        %parallel_loop3A_214 = arith.constant 8.000000e+00 : f32
        %parallel_loop3A_215 = vector.broadcast %parallel_loop3A_214 : f32 to vector<16xf32>
        %parallel_loop3A_216 = arith.mulf %parallel_loop3A_213, %parallel_loop3A_215 : vector<16xf32>
        %parallel_loop3A_217 = arith.index_cast %parallel_loop3A_201 : i32 to index
        %parallel_loop3A_218 = arith.constant 208 : index
        %parallel_loop3A_219 = tpu.vector_load %arg9[%parallel_loop3A_217, %parallel_loop3A_218] {strides = array<i32>} : memref<128x256xf32, #tpu.memory_space<vmem>>, vector<16xf32>,
        tpu.vector_store %arg9[%parallel_loop3A_217, %parallel_loop3A_218], %parallel_loop3A_216 {strides = array<i32>} : memref<128x256xf32, #tpu.memory_space<vmem>>, vector<16xf32>,
        %parallel_loop3A_220 = arith.index_cast %parallel_loop3A_201 : i32 to index
        %parallel_loop3A_221 = arith.constant 32 : index
        %parallel_loop3A_222 = tpu.vector_load %arg7[%parallel_loop3A_220, %parallel_loop3A_221] {strides = array<i32>} : memref<128x64xf32, #tpu.memory_space<vmem>>, vector<16xf32>,
        %parallel_loop3A_223 = arith.constant 8.000000e+00 : f32
        %parallel_loop3A_224 = vector.broadcast %parallel_loop3A_223 : f32 to vector<16xf32>
        %parallel_loop3A_225 = arith.mulf %parallel_loop3A_222, %parallel_loop3A_224 : vector<16xf32>
        %parallel_loop3A_226 = arith.index_cast %parallel_loop3A_201 : i32 to index
        %parallel_loop3A_227 = arith.constant 224 : index
        %parallel_loop3A_228 = tpu.vector_load %arg9[%parallel_loop3A_226, %parallel_loop3A_227] {strides = array<i32>} : memref<128x256xf32, #tpu.memory_space<vmem>>, vector<16xf32>,
        tpu.vector_store %arg9[%parallel_loop3A_226, %parallel_loop3A_227], %parallel_loop3A_225 {strides = array<i32>} : memref<128x256xf32, #tpu.memory_space<vmem>>, vector<16xf32>,
        %parallel_loop3A_229 = arith.index_cast %parallel_loop3A_201 : i32 to index
        %parallel_loop3A_230 = arith.constant 48 : index
        %parallel_loop3A_231 = tpu.vector_load %arg7[%parallel_loop3A_229, %parallel_loop3A_230] {strides = array<i32>} : memref<128x64xf32, #tpu.memory_space<vmem>>, vector<16xf32>,
        %parallel_loop3A_232 = arith.constant 8.000000e+00 : f32
        %parallel_loop3A_233 = vector.broadcast %parallel_loop3A_232 : f32 to vector<16xf32>
        %parallel_loop3A_234 = arith.mulf %parallel_loop3A_231, %parallel_loop3A_233 : vector<16xf32>
        %parallel_loop3A_235 = arith.index_cast %parallel_loop3A_201 : i32 to index
        %parallel_loop3A_236 = arith.constant 240 : index
        %parallel_loop3A_237 = tpu.vector_load %arg9[%parallel_loop3A_235, %parallel_loop3A_236] {strides = array<i32>} : memref<128x256xf32, #tpu.memory_space<vmem>>, vector<16xf32>,
        tpu.vector_store %arg9[%parallel_loop3A_235, %parallel_loop3A_236], %parallel_loop3A_234 {strides = array<i32>} : memref<128x256xf32, #tpu.memory_space<vmem>>, vector<16xf32>,
      } {sc.loop_unroll_factor = 8 : i64, sc.parallel_access}
      %lt3A_190 = arith.constant 198 : i32
      %lt3A_191 = arith.cmpi slt, %add3A_180, %lt3A_190 : i32
      %convert_element_type3A_192 = arith.extui %lt3A_191 : i1 to i32
      %cond3A_193 = arith.constant 0 : i32
      %cond3A_194 = arith.cmpi ne, %convert_element_type3A_192, %cond3A_193 : i32
      scf.if %cond3A_194 {
        %add3A_201 = arith.constant 2 : i32
        %add3A_202 = arith.addi %add3A_180, %add3A_201 : i32
        %dma_start3A_203 = arith.constant 0 : i32
        %dma_start3A_204 = tpu.memref_slice %arg5[%add3A_202, %dma_start3A_203] : memref<200x128xi32, #tpu.memory_space<vmem>> -> memref<1x128xi32, #tpu.memory_space<vmem>>
        %dma_start3A_205 = tpu.memref_squeeze %dma_start3A_204 : memref<1x128xi32, #tpu.memory_space<vmem>> -> memref<128xi32, #tpu.memory_space<vmem>>
        %dma_start3A_206 = arith.constant 0 : i32
        %dma_start3A_207 = arith.constant 0 : i32
        %dma_start3A_208 = tpu.memref_slice %arg3[%dma_start3A_206, %dma_start3A_207] : memref<1000000x64xf32, #tpu.memory_space<hbm>> -> memref<1000000x64xf32, #tpu.memory_space<hbm>>
        tpu.enqueue_indirect_dma source(%dma_start3A_208 : memref<1000000x64xf32, #tpu.memory_space<hbm>>) target(%arg7 : memref<128x64xf32, #tpu.memory_space<vmem>>) offsets(%dma_start3A_205 : memref<128xi32, #tpu.memory_space<vmem>>) semaphore(%arg11 : memref<!tpu.dma_semaphore, #tpu.memory_space<semaphore_mem>>)
      } else {
      }
      %mul3A_195 = arith.constant 4 : i32
      %mul3A_196 = arith.muli %add3A_117, %mul3A_195 : i32
      %mul3A_197 = arith.constant 64 : i32
      %mul3A_198 = arith.muli %mul3A_196, %mul3A_197 : i32
      %dma_start3A_199 = tpu.memref_slice %arg4[%mul3A_2, %mul3A_198] : memref<4096x12800xf32, #tpu.memory_space<hbm>> -> memref<128x256xf32, #tpu.memory_space<hbm>>
      %dma_start3A_200 = tpu.memref_slice %arg4[%mul3A_2, %mul3A_198] : memref<4096x12800xf32, #tpu.memory_space<hbm>> -> memref<128x256xf32, #tpu.memory_space<hbm>>
      tpu.enqueue_dma source(%arg9 : memref<128x256xf32, #tpu.memory_space<vmem>>) target(%dma_start3A_200 : memref<128x256xf32, #tpu.memory_space<hbm>>) target_semaphore(%arg13 : memref<!tpu.dma_semaphore, #tpu.memory_space<semaphore_mem>>)
    }
    %scan3A_19 = arith.constant 25 : i32
    %dma_wait3A = arith.constant 12288 : i32
    %dma_wait3A_20 = tpu.memref_slice %arg4[%mul3A_2, %dma_wait3A] : memref<4096x12800xf32, #tpu.memory_space<hbm>> -> memref<128x256xf32, #tpu.memory_space<hbm>>
    %dma_wait3A_21 = arith.constant 12288 : i32
    %dma_wait3A_22 = tpu.memref_slice %arg4[%mul3A_2, %dma_wait3A_21] : memref<4096x12800xf32, #tpu.memory_space<hbm>> -> memref<128x256xf32, #tpu.memory_space<hbm>>
    tpu.wait_dma2 semaphore(%arg12 : memref<!tpu.dma_semaphore, #tpu.memory_space<semaphore_mem>>) src(%arg8 : memref<128x256xf32, #tpu.memory_space<vmem>>) dst(%dma_wait3A_22 : memref<128x256xf32, #tpu.memory_space<hbm>>)
    %dma_wait3A_23 = arith.constant 12544 : i32
    %dma_wait3A_24 = tpu.memref_slice %arg4[%mul3A_2, %dma_wait3A_23] : memref<4096x12800xf32, #tpu.memory_space<hbm>> -> memref<128x256xf32, #tpu.memory_space<hbm>>
    %dma_wait3A_25 = arith.constant 12544 : i32
    %dma_wait3A_26 = tpu.memref_slice %arg4[%mul3A_2, %dma_wait3A_25] : memref<4096x12800xf32, #tpu.memory_space<hbm>> -> memref<128x256xf32, #tpu.memory_space<hbm>>
    tpu.wait_dma2 semaphore(%arg13 : memref<!tpu.dma_semaphore, #tpu.memory_space<semaphore_mem>>) src(%arg9 : memref<128x256xf32, #tpu.memory_space<vmem>>) dst(%dma_wait3A_26 : memref<128x256xf32, #tpu.memory_space<hbm>>)
    return
  }
}

</mosaic_0001>

<sc_bundles>
// kernel: kernel.3.cloned.1.call-start
scs
__scs_entry_jumppad:
0x0: {  	(pc) =	sbr.rel $0x88, $3  }
0x1: {  	(tag) =	ssettag $0x0;
	lr =	simm.s32 $0x1  }
0x2: {  	[smem:$0x3F9F] =	sst lr;
	_ =	strace $0xD0000000  }
0x3: {  	_ = 	snop  }
0x4: {  	_ = 	snop  }
0x5: {  	_ = 	snop  }
0x6: {  	_ = 	snop  }
0x7: {  	_ = 	snop  }
__scs_overlays_trampoline_lowered:
0x8: {  	[smem:$0x3FAE] =	sst s0  }
0x9: {  	[smem:$0x3FAF] =	sst s1  }
0xa: {  	[smem:$0x3FB0] =	sst s2  }
0xb: {  	[smem:$0x3FB1] =	sst s3  }
0xc: {  	[smem:$0x3FB2] =	sst s4  }
0xd: {  	[smem:$0x3FB3] =	sst s5  }
0xe: {  	[smem:$0x3FB4] =	sst s6  }
0xf: {  	[smem:$0x3FB5] =	sst s7  }
0x10: {  	[smem:$0x3FB6] =	sst s8  }
0x11: {  	[smem:$0x3FB7] =	sst s9;
	s0 =	simm.s32 @!p0 $0x0  }
0x12: {  	s1 =	sld [smem:$0x3F9D];
	s0 =	simm.s32 @p0 $0x1  }
0x13: {  	[smem:$0x3FB8] =	sst s0;
	s0 =	simm.s32 @!p1 $0x0  }
0x14: {  	s2 =	sld [smem:$0x3F9C];
	s0 =	simm.s32 @p1 $0x1  }
0x15: {  	[smem:$0x3FB9] =	sst s0;
	s0 =	simm.s32 @!p2 $0x0  }
0x16: {  	s3 =	sld [smem:$0x3FDB];
	s0 =	simm.s32 @p2 $0x1  }
0x17: {  	s4 =	simm.s32 $0x1BF5;
	[smem:$0x3FBB] =	sst s0  }
0x18: {  	s0 =	sld [smem:$0x3F9E];
	_ =	swait.ge [sflag:s4], $0x0  }
0x19: {  	s7 =	sld [smem:$0x3F9F]  }
0x1a: {  	s8 =	sadd.s32 $0xFFFFE003, lr  }
0x1b: {  	s9 =	sadd.s32 $0xFFFFFEF7, lr;
	s5 =	simm.s32 $0xFFFFFFFF;
	p2 =	slt.u32 s8, $0xFFFFF086  }
0x1c: {  	p1 =	slt.u32 s9, $0xF7A;
	s5 =	simm.s32 @!p2 $0x0  }
0x1d: {  	s5 =	simm.s32 @p1 $0x1;
	p0 =	seq.s32 s7, s2  }
0x1e: {  	s7 =	smul.u32 @!p0 $0xF7A, s2;
	p2 =	seq.s32 @!p0 s5, $0x0  }
0x1f: {  	s9 =	smul.u32 $0xF7A, s1;
	s8 =	simm.s32 @!p0 $0x1BF5;
	p2 =	por !p2, p0  }
0x20: {  	[sflag:s8] =	ssyncset.s32 @!p0 $0xFFFFF086;
	s6 =	sadd.s32 @!p0 s3, s7;
	s7 =	simm.s32 @!p0 $0x108  }
0x21: {  	s3 =	sadd.s32 s3, s9;
	s6 =	sadd.s32 @!p0 $0x88, s6;
	s7 =	simm.s32 @p2 $0x1082  }
0x22: {  	[simem:s7], [sflag:s8] =	dma.local @!p0 [hbm:s6], $0xF7A  }
0x23: {  	s9 =	sor.u32 $0xD0000000, s2;
	s6 =	simm.s32 $0x108;
	_ =	swait.ge @!p0 [sflag:s8], $0x0  }
0x24: {  	s3 =	sadd.s32 $0x88, s3;
	s6 =	simm.s32 @!p1 $0x1082;
	[sflag:s4] =	ssyncset.s32 $0xFFFFF086  }
0x25: {  	[simem:s6], [sflag:s4] =	dma.local [hbm:s3], $0xF7A  }
0x26: {  	[smem:$0x3F9F] =	sst s1;
	(tag) =	ssettag s2;
	_ =	strace s9  }
0x27: {  	s1 =	sld [smem:$0x3FAF]  }
0x28: {  	s2 =	sld [smem:$0x3FB0]  }
0x29: {  	s4 =	sld [smem:$0x3FB2]  }
0x2a: {  	p0 =	seq.s32 s5, $0x0;
	s5 =	sld [smem:$0x3FB3]  }
0x2b: {  	s6 =	sld [smem:$0x3FB4]  }
0x2c: {  	s7 =	sld [smem:$0x3FB5]  }
0x2d: {  	s3 =	simm.s32 $0x108;
	s8 =	sld [smem:$0x3FB6]  }
0x2e: {  	s3 =	simm.s32 @!p0 $0x1082;
	s9 =	sld [smem:$0x3FB7]  }
0x2f: {  	lr =	sadd.s32 s0, s3;
	s0 =	sld [smem:$0x3FAE]  }
0x30: {  	s3 =	sld [smem:$0x3FB1]  }
0x31: {  	[smem:$0x3FBA] =	sst s10  }
0x32: {  	s10 =	sld [smem:$0x3FB8];
	_ =	sdelay $0x3  }
0x33: {  	p0 =	seq.s32 s10, $0x1;
	s10 =	sld [smem:$0x3FBA];
	_ =	sdelay $0x3  }
0x34: {  	[smem:$0x3FBA] =	sst s10  }
0x35: {  	s10 =	sld [smem:$0x3FB9];
	_ =	sdelay $0x3  }
0x36: {  	p1 =	seq.s32 s10, $0x1;
	s10 =	sld [smem:$0x3FBA];
	_ =	sdelay $0x3  }
0x37: {  	[smem:$0x3FBA] =	sst s10  }
0x38: {  	s10 =	sld [smem:$0x3FBB]  }
0x39: {  	_ = 	snop;
	(pc) =	sbr.ind lr, $3  }
0x3a: {  	_ = 	snop  }
0x3b: {  	_ = 	snop  }
0x3c: {  	p2 =	seq.s32 s10, $0x1;
	s10 =	sld [smem:$0x3FBA]  }
0x3d: {  	_ =	shalt  }
0x3e: {  	_ =	shalt  }
0x3f: {  	_ =	shalt  }
0x40: {  	_ =	shalt  }
0x41: {  	_ =	shalt  }
0x42: {  	_ =	shalt  }
0x43: {  	_ =	shalt  }
0x44: {  	_ =	shalt  }
0x45: {  	_ =	shalt  }
0x46: {  	_ =	shalt  }
0x47: {  	_ =	shalt  }
0x48: {  	_ =	shalt  }
0x49: {  	_ =	shalt  }
0x4a: {  	_ =	shalt  }
0x4b: {  	_ =	shalt  }
0x4c: {  	_ =	shalt  }
0x4d: {  	_ =	shalt  }
0x4e: {  	_ =	shalt  }
0x4f: {  	_ =	shalt  }
0x50: {  	_ =	shalt  }
0x51: {  	_ =	shalt  }
0x52: {  	_ =	shalt  }
0x53: {  	_ =	shalt  }
0x54: {  	_ =	shalt  }
0x55: {  	_ =	shalt  }
0x56: {  	_ =	shalt  }
0x57: {  	_ =	shalt  }
0x58: {  	_ =	shalt  }
0x59: {  	_ =	shalt  }
0x5a: {  	_ =	shalt  }
0x5b: {  	_ =	shalt  }
0x5c: {  	_ =	shalt  }
0x5d: {  	_ =	shalt  }
0x5e: {  	_ =	shalt  }
0x5f: {  	_ =	shalt  }
0x60: {  	_ =	shalt  }
0x61: {  	_ =	shalt  }
0x62: {  	_ =	shalt  }
0x63: {  	_ =	shalt  }
0x64: {  	_ =	shalt  }
0x65: {  	_ =	shalt  }
0x66: {  	_ =	shalt  }
0x67: {  	_ =	shalt  }
0x68: {  	_ =	shalt  }
0x69: {  	_ =	shalt  }
0x6a: {  	_ =	shalt  }
0x6b: {  	_ =	shalt  }
0x6c: {  	_ =	shalt  }
0x6d: {  	_ =	shalt  }
0x6e: {  	_ =	shalt  }
0x6f: {  	_ =	shalt  }
0x70: {  	_ =	shalt  }
0x71: {  	_ =	shalt  }
0x72: {  	_ =	shalt  }
0x73: {  	_ =	shalt  }
0x74: {  	_ =	shalt  }
0x75: {  	_ =	shalt  }
0x76: {  	_ =	shalt  }
0x77: {  	_ =	shalt  }
0x78: {  	_ =	shalt  }
0x79: {  	_ =	shalt  }
0x7a: {  	_ =	shalt  }
0x7b: {  	_ =	shalt  }
0x7c: {  	_ =	shalt  }
0x7d: {  	_ =	shalt  }
0x7e: {  	_ =	shalt  }
0x7f: {  	_ =	shalt  }
0x80: {  	_ =	shalt  }
0x81: {  	_ =	shalt  }
0x82: {  	_ =	shalt  }
0x83: {  	_ =	shalt  }
0x84: {  	_ =	shalt  }
0x85: {  	_ =	shalt  }
0x86: {  	_ =	shalt  }
0x87: {  	_ =	shalt  }
.Lfunc_end0:
.L_simem_size_0:
called_computation.1_lowered:
.L_overlay_start_0:
0x88: {  	s2 =	sld [smem:$0x3FD9]  }
0x89: {  	s3 =	sld [smem:$0x3FFE];
	_ =	sdelay $0x1  }
0x8a: {  	s1 =	srdreg.scid  }
0x8b: {  	s0 =	sand.u32 $0x1, s1  }
0x8c: {  	s17 =	sshll.u32 s0, $0xA;
	s2 =	sadd.s32 s3, s2  }
0x8d: {  	s2 =	sadd.s32 s2, s17  }
0x8e: {  	[smem:$0x3FC6] =	sst s2  }
0x8f: {  	_ = 	snop  }
0x90: {  	s2 =	sld [smem:$0x3FD0];
	(tm) =	ssettm $0x1  }
0x91: {  	s18 =	sld [smem:$0x3FFB];
	_ =	sdelay $0x3  }
0x92: {  	_ =	strace s18  }
0x93: {  	s3 =	sld [smem:$0x3FFC];
	_ =	sdelay $0x3  }
0x94: {  	_ =	strace s3  }
0x95: {  	s3 =	sld [smem:$0x3FFD];
	_ =	sdelay $0x3  }
0x96: {  	_ =	strace s3  }
0x97: {  	_ =	strace $0x8FFFFFFF  }
0x98: {  	s19 =	sld [smem:$0x3FDB];
	_ =	sdelay $0x1  }
0x99: {  	s4 =	simm.s32 $_scs_section_size  }
0x9a: {  	s5 =	simm.s32 $_size__tile_overlayer_lowered;
	s6 =	simm.s32 $_tile_overlayer_lowered  }
0x9b: {  	s22 =	simm.s32 $0x1BFF;
	s21 =	sshll.u32 s6, $0x1;
	s3 =	sadd.s32 s4, s19  }
0x9c: {  	s7 =	simm.s32 $0x0;
	s20 =	sshll.u32 s5, $0x1;
	s5 =	sadd.s32 s21, s3  }
0x9d: {  	[timem:s7], [sflag:s22] =	dma.local [hbm:s5], s20  }
0x9e: {  	_ =	swait.ge [sflag:s22], s20  }
0x9f: {  	s4 =	ssub.s32 $0x0, s20;
	[sflag:s22] =	ssyncset.done $0x0  }
0xa0: {  	[sflag:s22] =	ssyncadd.s32 s4;
	_ =	sdelay $0x1  }
0xa1: {  	s23 =	simm.s32 $0x1B8B  }
0xa2: {  	_ =	swait.ge [sflag:s23], $0x1  }
0xa3: {  	[sflag:s23] =	ssyncset.done $0x0  }
0xa4: {  	s25 =	simm.s32 $0x1B8E;
	s24 =	sld [smem:$0x3FFE];
	[sflag:s23] =	ssyncadd.s32 $0xFFFFFFFF  }
0xa5: {  	s26 =	simm.s32 $execute0_lowered;
	[smem:$0x3FD2] =	sst s25  }
0xa6: {  	s5 =	sshll.u32 s26, $0x1;
	_ =	strace $0x80000046;
	[dreg:$0x1] =	wrdreg $0xFFFFFFFF  }
0xa7: {  	s28 =	simm.s32 $_size_execute0_lowered;
	s3 =	sadd.s32 s3, s5;
	[dreg:$0x0] =	wrdreg $0x0  }
0xa8: {  	s5 =	sshll.u32 s28, $0x1;
	[dreg:$0x2] =	wrdreg s3  }
0xa9: {  	[dreg:$0x3] =	wrdreg s5  }
0xaa: {  	[dreg:$0x4] =	wrdreg $0xC0  }
0xab: {  	_ =	task [dreg:s7], $0x5FFFF  }
0xac: {  	[dreg:$0x1] =	wrdreg $0xFFFFFFFF  }
0xad: {  	[dreg:$0x0] =	wrdreg $0x60  }
0xae: {  	[dreg:$0x2] =	wrdreg s24  }
0xaf: {  	[dreg:$0x3] =	wrdreg s2  }
0xb0: {  	[dreg:$0x4] =	wrdreg $0x9  }
0xb1: {  	_ =	task.clear_ibuf [dreg:s7], $0x5FFFF;
	_ =	strace $0x90000046  }
0xb2: {  	s29 =	simm.s32 $0x9;
	_ =	strace $0x80000048  }
0xb3: {  	_ =	swait.ge [sflag:s29], $0x1  }
0xb4: {  	[sflag:s29] =	ssyncadd.s32 $0xFFFFFFFF  }
0xb5: {  	_ =	strace $0x90000048  }
0xb6: {  	_ =	sfence  }
0xb7: {  	s30 =	sld [smem:$0x0];
	_ =	sdelay $0x2  }
0xb8: {  	s31 =	sshll.u32 s1, $0xD;
	s1 =	sshrl.u32 s1, $0x2  }
0xb9: {  	s3 =	sand.u32 $0x4000, s31;
	s1 =	sadd.s32 s1, s30  }
0xba: {  	s0 =	sor.u32 s3, s0;
	s1 =	sshll.u32 s1, $0x11  }
0xbb: {  	s0 =	sor.u32 s1, s0  }
0xbc: {  	s0 =	sadd.s32 $0x8F2B, s0  }
0xbd: {  	[sflag:s0] =	ssyncadd.remote.s32 $0x1  }
0xbe: {  	_ =	sfence.sel $0xFFFF  }
0xbf: {  	[dreg:$0x0] =	wrdreg $0xFFFFFFFF;
	(pc) =	sbr.abs _section_cstart, $3  }
0xc0: {  	[dreg:$0x1] =	wrdreg $0xFFFFFFFF  }
0xc1: {  	_ =	task.clear_ibuf [dreg:s7], $0x2FFFF;
	_ =	strace $0x9FFFFFFF  }
0xc2: {  	(tm) =	ssettm $0x7FFFFFFF  }
0xc3: {  	_ =	shalt  }
tec
execute0_lowered:
.L_overlay_start_1:
0x0: {  	(tag) =	ssettag $0x1  }
0x1: {  	s4 =	rddreg [dreg:$0x0]  }
0x2: {  	s2 =	rddreg [dreg:$0x1];
	s3 =	srdreg.scid  }
0x3: {  	s0 =	rddreg [dreg:$0x2];
	s1 =	stileid.u32  }
0x4: {  	s9 =	simm.s32 $0x1000;
	s10 =	simm.s32 $0x5;
	s11 =	simm.s32 $0x6400  }
0x5: {  	s12 =	simm.s32 $0x8400;
	s13 =	simm.s32 $0x1;
	s14 =	simm.s32 $0x2  }
0x6: {  	s15 =	simm.s32 $0x100;
	s16 =	simm.s32 $0x3200;
	s17 =	simm.s32 $0xA400  }
0x7: {  	s18 =	simm.s32 $0x12400;
	s19 =	simm.s32 $0x3;
	s20 =	simm.s32 $0x4  }
0x8: {  	s21 =	simm.s32 $0x0;
	s5 =	sand.u32 $0x1, s3;
	s3 =	simm.s32 $0x0  }
0x9: {  	s6 =	sshll.u32 s1, $0x8;
	s7 =	sshll.u32 s5, $0x7;
	s5 =	ssub.s32 $0x2, s5  }
0xa: {  	[smem:$0x7FF] =	sst s3;
	s6 =	sor.u32 s7, s6;
	s8 =	sshrl.u32 s5, $0x1  }
0xb: {  	_ =	strace $0x80000047;
	s7 =	sshrl.u32 s6, $0x3;
	s8 =	ssub.s32 s5, s8  }
0xc: {  	s6 =	smul.u32 $0x3200, s6;
	s7 =	sadd.s32 s7, s4;
	s4 =	sadd.s32 $0xF42E00, s4  }
0xd: {  	s5 =	sadd.s32 $0xA00, s7;
	s7 =	smax.u32 s8, $0x1;
	s8 =	simm.s32 $0x80  }
.LBB2_1:
0xe: {  	[tilespmem:s3], [sflag:$0x5] =	stream.strided.gather [hbm4b:s5+s8], $0x6400, s9, s8, $0x38;
	[tilespmem:$0x1A400] =	vst v63  }
0xf: {  	_ =	swait.ge [sflag:s10], $0x6400  }
0x10: {  	[sflag:s10] =	ssyncset.done $0x0  }
0x11: {  	[sflag:s10] =	ssyncadd.s32 $0xFFFF9C00  }
0x12: {  	[tilespmem:s11], [sflag:$0x1] =	stream.indirect.gather [hbm4b:s4+s8], $0x40, s3, s8, $0xb8;
	[tilespmem:$0x1A400] =	vst v63  }
0x13: {  	s22 =	simm.s32 $0x0  }
0x14: {  	[tilespmem:s12], [sflag:$0x2] =	stream.indirect.gather [hbm4b:s4+s8], $0x40, s8, s8, $0xb8;
	[tilespmem:$0x1A400] =	vst v63  }
.LBB2_2:
0x15: {  	p0 =	seq.s32 s22, $0x0  }
0x16: {  	s23 =	simm.s32 @!p0 $0x3  }
0x17: {  	_ =	swait.ge @!p0 [sflag:s23], $0x8000  }
0x18: {  	[sflag:s23] =	ssyncset.done @!p0 $0x0  }
0x19: {  	[sflag:s23] =	ssyncadd.s32 @!p0 $0xFFFF8000  }
0x1a: {  	_ =	swait.ge [sflag:s13], $0x2000  }
0x1b: {  	[sflag:s13] =	ssyncset.done $0x0  }
0x1c: {  	s26 =	simm.s32 $0x6500;
	[sflag:s13] =	ssyncadd.s32 $0xFFFFE000  }
0x1d: {  	v0 =	vld [tilespmem:s26+$0xC0]  }
0x1e: {  	v1 =	vld [tilespmem:s26+$0xFFFFFF40]  }
0x1f: {  	v2 =	vld [tilespmem:s26+$0xFFFFFF80]  }
0x20: {  	v3 =	vld [tilespmem:s26+$0xFFFFFFC0]  }
0x21: {  	v4 =	vld [tilespmem:s26+$0x0]  }
0x22: {  	v5 =	vld [tilespmem:s26+$0x40];
	v0 =	vmul.f32 $8.000000000e+00, v0  }
0x23: {  	s25 =	simm.s32 $0xA800;
	v6 =	vld [tilespmem:s26+$0x80];
	v1 =	vmul.f32 $8.000000000e+00, v1  }
0x24: {  	v7 =	vld [tilespmem:s26+$0xFFFFFF00];
	v2 =	vmul.f32 $8.000000000e+00, v2;
	[tilespmem:s25+$0x300] =	vst v0  }
0x25: {  	[tilespmem:s25+$0xFFFFFD00] =	vst v1;
	v0 =	vmul.f32 $8.000000000e+00, v3;
	v1 =	vld [tilespmem:s26+$0xD0]  }
0x26: {  	[tilespmem:s25+$0xFFFFFE00] =	vst v2;
	v2 =	vmul.f32 $8.000000000e+00, v4;
	v3 =	vld [tilespmem:s26+$0xFFFFFF50]  }
0x27: {  	v4 =	vld [tilespmem:s26+$0xFFFFFF90];
	[tilespmem:s25+$0xFFFFFF00] =	vst v0;
	v0 =	vmul.f32 $8.000000000e+00, v5  }
0x28: {  	[tilespmem:s25+$0x0] =	vst v2;
	v2 =	vmul.f32 $8.000000000e+00, v6;
	v5 =	vld [tilespmem:s26+$0xFFFFFFD0]  }
0x29: {  	v6 =	vmul.f32 $8.000000000e+00, v7;
	v7 =	vld [tilespmem:s26+$0x10];
	[tilespmem:s25+$0x100] =	vst v0  }
0x2a: {  	[tilespmem:s25+$0x200] =	vst v2;
	v0 =	vld [tilespmem:s26+$0x50];
	v1 =	vmul.f32 $8.000000000e+00, v1  }
0x2b: {  	[tilespmem:s25+$0xFFFFFC00] =	vst v6;
	v2 =	vmul.f32 $8.000000000e+00, v3;
	v3 =	vld [tilespmem:s26+$0x90]  }
0x2c: {  	v6 =	vld [tilespmem:s26+$0xFFFFFF10];
	v4 =	vmul.f32 $8.000000000e+00, v4;
	[tilespmem:s25+$0x310] =	vst v1  }
0x2d: {  	[tilespmem:s25+$0xFFFFFD10] =	vst v2;
	v1 =	vmul.f32 $8.000000000e+00, v5;
	v2 =	vld [tilespmem:s26+$0xE0]  }
0x2e: {  	[tilespmem:s25+$0xFFFFFE10] =	vst v4;
	v4 =	vmul.f32 $8.000000000e+00, v7;
	v5 =	vld [tilespmem:s26+$0xFFFFFF60]  }
0x2f: {  	v7 =	vld [tilespmem:s26+$0xFFFFFFA0];
	[tilespmem:s25+$0xFFFFFF10] =	vst v1;
	v0 =	vmul.f32 $8.000000000e+00, v0  }
0x30: {  	[tilespmem:s25+$0x10] =	vst v4;
	v1 =	vld [tilespmem:s26+$0xFFFFFFE0];
	v3 =	vmul.f32 $8.000000000e+00, v3  }
0x31: {  	v4 =	vmul.f32 $8.000000000e+00, v6;
	v6 =	vld [tilespmem:s26+$0x20];
	[tilespmem:s25+$0x110] =	vst v0  }
0x32: {  	v0 =	vld [tilespmem:s26+$0x60];
	[tilespmem:s25+$0x210] =	vst v3;
	v2 =	vmul.f32 $8.000000000e+00, v2  }
0x33: {  	[tilespmem:s25+$0xFFFFFC10] =	vst v4;
	v3 =	vmul.f32 $8.000000000e+00, v5;
	v4 =	vld [tilespmem:s26+$0xA0]  }
0x34: {  	v5 =	vld [tilespmem:s26+$0xFFFFFF20];
	v7 =	vmul.f32 $8.000000000e+00, v7;
	[tilespmem:s25+$0x320] =	vst v2  }
0x35: {  	[tilespmem:s25+$0xFFFFFD20] =	vst v3;
	v1 =	vmul.f32 $8.000000000e+00, v1;
	v3 =	vld [tilespmem:s26+$0xF0]  }
0x36: {  	[tilespmem:s25+$0xFFFFFE20] =	vst v7;
	v2 =	vmul.f32 $8.000000000e+00, v6;
	v8 =	vld [tilespmem:s26+$0xFFFFFF70]  }
0x37: {  	v7 =	vld [tilespmem:s26+$0xFFFFFFB0];
	[tilespmem:s25+$0xFFFFFF20] =	vst v1;
	v1 =	vmul.f32 $8.000000000e+00, v0  }
0x38: {  	[tilespmem:s25+$0x20] =	vst v2;
	v0 =	vld [tilespmem:s26+$0xFFFFFFF0];
	v4 =	vmul.f32 $8.000000000e+00, v4  }
0x39: {  	v5 =	vmul.f32 $8.000000000e+00, v5;
	v2 =	vld [tilespmem:s26+$0x30];
	[tilespmem:s25+$0x120] =	vst v1  }
0x3a: {  	v1 =	vld [tilespmem:s26+$0x70];
	[tilespmem:s25+$0x220] =	vst v4;
	v9 =	vmul.f32 $8.000000000e+00, v3  }
0x3b: {  	[tilespmem:s25+$0xFFFFFC20] =	vst v5;
	v3 =	vld [tilespmem:s26+$0xB0];
	v6 =	vmul.f32 $8.000000000e+00, v8  }
0x3c: {  	s24 =	simm.s32 $0x0;
	s23 =	sshll.u32 s22, $0x1;
	v4 =	vld [tilespmem:s26+$0xFFFFFF30];
	v5 =	vmul.f32 $8.000000000e+00, v7;
	s26 =	simm.s32 $0x6700;
	[tilespmem:s25+$0x330] =	vst v9  }
.LBB2_3:
0x3d: {  	v7 =	vld [tilespmem:s26+$0xC0];
	s24 =	sadd.s32 $0x8, s24;
	[tilespmem:s25+$0xFFFFFD30] =	vst v6;
	v0 =	vmul.f32 $8.000000000e+00, v0  }
0x3e: {  	v6 =	vld [tilespmem:s26+$0xFFFFFF40];
	p1 =	slt.u32 s24, $0x78;
	[tilespmem:s25+$0xFFFFFE30] =	vst v5;
	v2 =	vmul.f32 $8.000000000e+00, v2  }
0x3f: {  	v5 =	vld [tilespmem:s26+$0xFFFFFF80];
	[tilespmem:s25+$0xFFFFFF30] =	vst v0;
	v0 =	vmul.f32 $8.000000000e+00, v1  }
0x40: {  	v1 =	vld [tilespmem:s26+$0xFFFFFFC0];
	[tilespmem:s25+$0x30] =	vst v2;
	v2 =	vmul.f32 $8.000000000e+00, v3  }
0x41: {  	v3 =	vld [tilespmem:s26+$0x0];
	v4 =	vmul.f32 $8.000000000e+00, v4;
	[tilespmem:s25+$0x130] =	vst v0  }
0x42: {  	v0 =	vld [tilespmem:s26+$0x40];
	v7 =	vmul.f32 $8.000000000e+00, v7;
	[tilespmem:s25+$0x230] =	vst v2  }
0x43: {  	v2 =	vmul.f32 $8.000000000e+00, v6;
	v6 =	vld [tilespmem:s26+$0x80];
	[tilespmem:s25+$0xFFFFFC30] =	vst v4;
	s25 =	sadd.s32 $0x800, s25  }
0x44: {  	v4 =	vld [tilespmem:s26+$0xFFFFFF00];
	v5 =	vmul.f32 $8.000000000e+00, v5;
	[tilespmem:s25+$0x300] =	vst v7  }
0x45: {  	[tilespmem:s25+$0xFFFFFD00] =	vst v2;
	v1 =	vmul.f32 $8.000000000e+00, v1;
	v2 =	vld [tilespmem:s26+$0xD0]  }
0x46: {  	v7 =	vld [tilespmem:s26+$0xFFFFFF50];
	[tilespmem:s25+$0xFFFFFE00] =	vst v5;
	v3 =	vmul.f32 $8.000000000e+00, v3  }
0x47: {  	v5 =	vld [tilespmem:s26+$0xFFFFFF90];
	[tilespmem:s25+$0xFFFFFF00] =	vst v1;
	v0 =	vmul.f32 $8.000000000e+00, v0  }
0x48: {  	v1 =	vld [tilespmem:s26+$0xFFFFFFD0];
	[tilespmem:s25+$0x0] =	vst v3;
	v3 =	vmul.f32 $8.000000000e+00, v6  }
0x49: {  	v4 =	vmul.f32 $8.000000000e+00, v4;
	v6 =	vld [tilespmem:s26+$0x10];
	[tilespmem:s25+$0x100] =	vst v0  }
0x4a: {  	v0 =	vld [tilespmem:s26+$0x50];
	[tilespmem:s25+$0x200] =	vst v3;
	v2 =	vmul.f32 $8.000000000e+00, v2  }
0x4b: {  	[tilespmem:s25+$0xFFFFFC00] =	vst v4;
	v3 =	vmul.f32 $8.000000000e+00, v7;
	v4 =	vld [tilespmem:s26+$0x90]  }
0x4c: {  	v7 =	vld [tilespmem:s26+$0xFFFFFF10];
	v5 =	vmul.f32 $8.000000000e+00, v5;
	[tilespmem:s25+$0x310] =	vst v2  }
0x4d: {  	[tilespmem:s25+$0xFFFFFD10] =	vst v3;
	v1 =	vmul.f32 $8.000000000e+00, v1;
	v2 =	vld [tilespmem:s26+$0xE0]  }
0x4e: {  	v3 =	vld [tilespmem:s26+$0xFFFFFF60];
	[tilespmem:s25+$0xFFFFFE10] =	vst v5;
	v5 =	vmul.f32 $8.000000000e+00, v6  }
0x4f: {  	v6 =	vld [tilespmem:s26+$0xFFFFFFA0];
	[tilespmem:s25+$0xFFFFFF10] =	vst v1;
	v0 =	vmul.f32 $8.000000000e+00, v0  }
0x50: {  	v1 =	vld [tilespmem:s26+$0xFFFFFFE0];
	[tilespmem:s25+$0x10] =	vst v5;
	v4 =	vmul.f32 $8.000000000e+00, v4  }
0x51: {  	v5 =	vmul.f32 $8.000000000e+00, v7;
	v7 =	vld [tilespmem:s26+$0x20];
	[tilespmem:s25+$0x110] =	vst v0  }
0x52: {  	v0 =	vld [tilespmem:s26+$0x60];
	[tilespmem:s25+$0x210] =	vst v4;
	v2 =	vmul.f32 $8.000000000e+00, v2  }
0x53: {  	[tilespmem:s25+$0xFFFFFC10] =	vst v5;
	v3 =	vmul.f32 $8.000000000e+00, v3;
	v4 =	vld [tilespmem:s26+$0xA0]  }
0x54: {  	v5 =	vld [tilespmem:s26+$0xFFFFFF20];
	v6 =	vmul.f32 $8.000000000e+00, v6;
	[tilespmem:s25+$0x320] =	vst v2  }
0x55: {  	[tilespmem:s25+$0xFFFFFD20] =	vst v3;
	v1 =	vmul.f32 $8.000000000e+00, v1;
	v3 =	vld [tilespmem:s26+$0xF0]  }
0x56: {  	v8 =	vld [tilespmem:s26+$0xFFFFFF70];
	[tilespmem:s25+$0xFFFFFE20] =	vst v6;
	v2 =	vmul.f32 $8.000000000e+00, v7  }
0x57: {  	v7 =	vld [tilespmem:s26+$0xFFFFFFB0];
	[tilespmem:s25+$0xFFFFFF20] =	vst v1;
	v1 =	vmul.f32 $8.000000000e+00, v0  }
.Ltmp0:
0x58: {  	v0 =	vld [tilespmem:s26+$0xFFFFFFF0];
	[tilespmem:s25+$0x20] =	vst v2;
	v4 =	vmul.f32 $8.000000000e+00, v4;
	(pc) =	sbr.rel @p1 .LBB2_3-.Ltmp0, $4  }
0x59: {  	v5 =	vmul.f32 $8.000000000e+00, v5;
	v2 =	vld [tilespmem:s26+$0x30];
	[tilespmem:s25+$0x120] =	vst v1  }
0x5a: {  	v1 =	vld [tilespmem:s26+$0x70];
	[tilespmem:s25+$0x220] =	vst v4;
	v9 =	vmul.f32 $8.000000000e+00, v3  }
0x5b: {  	[tilespmem:s25+$0xFFFFFC20] =	vst v5;
	v6 =	vmul.f32 $8.000000000e+00, v8;
	v3 =	vld [tilespmem:s26+$0xB0]  }
0x5c: {  	v4 =	vld [tilespmem:s26+$0xFFFFFF30];
	v5 =	vmul.f32 $8.000000000e+00, v7;
	[tilespmem:s25+$0x330] =	vst v9;
	s26 =	sadd.s32 $0x200, s26  }
0x5d: {  	[tilespmem:s25+$0xFFFFFD30] =	vst v6;
	v0 =	vmul.f32 $8.000000000e+00, v0  }
0x5e: {  	[tilespmem:s25+$0xFFFFFE30] =	vst v5;
	v2 =	vmul.f32 $8.000000000e+00, v2  }
0x5f: {  	[tilespmem:s25+$0xFFFFFF30] =	vst v0;
	v0 =	vmul.f32 $8.000000000e+00, v1  }
0x60: {  	[tilespmem:s25+$0x30] =	vst v2;
	v1 =	vmul.f32 $8.000000000e+00, v3  }
0x61: {  	s24 =	sshll.u32 s22, $0xA;
	v2 =	vmul.f32 $8.000000000e+00, v4;
	[tilespmem:s25+$0x130] =	vst v0  }
0x62: {  	s24 =	sand.u32 $0x3FFFFC00, s24;
	[tilespmem:s25+$0x230] =	vst v1  }
0x63: {  	s31 =	sor.u32 $0x100, s24;
	[tilespmem:s25+$0xFFFFFC30] =	vst v2  }
0x64: {  	[tilespmem:s11], [sflag:$0x1] =	stream.indirect.gather [hbm4b:s4+s8], $0x40, s31, s8, $0xb8;
	[tilespmem:$0x1A400] =	vst v63  }
0x65: {  	_ =	swait.ge [sflag:s14], $0x2000  }
0x66: {  	[sflag:s14] =	ssyncset.done $0x0  }
0x67: {  	s28 =	simm.s32 $0x8500;
	[sflag:s14] =	ssyncadd.s32 $0xFFFFE000  }
0x68: {  	v0 =	vld [tilespmem:s28+$0xC0]  }
0x69: {  	v1 =	vld [tilespmem:s28+$0xFFFFFF40]  }
0x6a: {  	v2 =	vld [tilespmem:s28+$0xFFFFFF80]  }
0x6b: {  	v3 =	vld [tilespmem:s28+$0xFFFFFFC0]  }
0x6c: {  	v4 =	vld [tilespmem:s28+$0x0]  }
0x6d: {  	v5 =	vld [tilespmem:s28+$0x40];
	v0 =	vmul.f32 $8.000000000e+00, v0  }
0x6e: {  	s25 =	simm.s32 $0xA840;
	v6 =	vld [tilespmem:s28+$0x80];
	v1 =	vmul.f32 $8.000000000e+00, v1  }
0x6f: {  	v7 =	vld [tilespmem:s28+$0xFFFFFF00];
	v2 =	vmul.f32 $8.000000000e+00, v2;
	[tilespmem:s25+$0x300] =	vst v0  }
0x70: {  	[tilespmem:s25+$0xFFFFFD00] =	vst v1;
	v0 =	vmul.f32 $8.000000000e+00, v3;
	v1 =	vld [tilespmem:s28+$0xD0]  }
0x71: {  	[tilespmem:s25+$0xFFFFFE00] =	vst v2;
	v2 =	vmul.f32 $8.000000000e+00, v4;
	v3 =	vld [tilespmem:s28+$0xFFFFFF50]  }
0x72: {  	v4 =	vld [tilespmem:s28+$0xFFFFFF90];
	[tilespmem:s25+$0xFFFFFF00] =	vst v0;
	v0 =	vmul.f32 $8.000000000e+00, v5  }
0x73: {  	[tilespmem:s25+$0x0] =	vst v2;
	v2 =	vmul.f32 $8.000000000e+00, v6;
	v5 =	vld [tilespmem:s28+$0xFFFFFFD0]  }
0x74: {  	v6 =	vmul.f32 $8.000000000e+00, v7;
	v7 =	vld [tilespmem:s28+$0x10];
	[tilespmem:s25+$0x100] =	vst v0  }
0x75: {  	[tilespmem:s25+$0x200] =	vst v2;
	v0 =	vld [tilespmem:s28+$0x50];
	v1 =	vmul.f32 $8.000000000e+00, v1  }
0x76: {  	[tilespmem:s25+$0xFFFFFC00] =	vst v6;
	v2 =	vmul.f32 $8.000000000e+00, v3;
	v3 =	vld [tilespmem:s28+$0x90]  }
0x77: {  	v6 =	vld [tilespmem:s28+$0xFFFFFF10];
	v4 =	vmul.f32 $8.000000000e+00, v4;
	[tilespmem:s25+$0x310] =	vst v1  }
0x78: {  	[tilespmem:s25+$0xFFFFFD10] =	vst v2;
	v1 =	vmul.f32 $8.000000000e+00, v5;
	v2 =	vld [tilespmem:s28+$0xE0]  }
0x79: {  	[tilespmem:s25+$0xFFFFFE10] =	vst v4;
	v4 =	vmul.f32 $8.000000000e+00, v7;
	v5 =	vld [tilespmem:s28+$0xFFFFFF60]  }
0x7a: {  	v7 =	vld [tilespmem:s28+$0xFFFFFFA0];
	[tilespmem:s25+$0xFFFFFF10] =	vst v1;
	v0 =	vmul.f32 $8.000000000e+00, v0  }
0x7b: {  	[tilespmem:s25+$0x10] =	vst v4;
	v1 =	vld [tilespmem:s28+$0xFFFFFFE0];
	v3 =	vmul.f32 $8.000000000e+00, v3  }
0x7c: {  	v4 =	vmul.f32 $8.000000000e+00, v6;
	v6 =	vld [tilespmem:s28+$0x20];
	[tilespmem:s25+$0x110] =	vst v0  }
0x7d: {  	v0 =	vld [tilespmem:s28+$0x60];
	[tilespmem:s25+$0x210] =	vst v3;
	v2 =	vmul.f32 $8.000000000e+00, v2  }
0x7e: {  	[tilespmem:s25+$0xFFFFFC10] =	vst v4;
	v3 =	vmul.f32 $8.000000000e+00, v5;
	v4 =	vld [tilespmem:s28+$0xA0]  }
0x7f: {  	v5 =	vld [tilespmem:s28+$0xFFFFFF20];
	v7 =	vmul.f32 $8.000000000e+00, v7;
	[tilespmem:s25+$0x320] =	vst v2  }
0x80: {  	[tilespmem:s25+$0xFFFFFD20] =	vst v3;
	v1 =	vmul.f32 $8.000000000e+00, v1;
	v3 =	vld [tilespmem:s28+$0xF0]  }
0x81: {  	[tilespmem:s25+$0xFFFFFE20] =	vst v7;
	v2 =	vmul.f32 $8.000000000e+00, v6;
	v8 =	vld [tilespmem:s28+$0xFFFFFF70]  }
0x82: {  	v7 =	vld [tilespmem:s28+$0xFFFFFFB0];
	[tilespmem:s25+$0xFFFFFF20] =	vst v1;
	v1 =	vmul.f32 $8.000000000e+00, v0  }
0x83: {  	[tilespmem:s25+$0x20] =	vst v2;
	v0 =	vld [tilespmem:s28+$0xFFFFFFF0];
	v4 =	vmul.f32 $8.000000000e+00, v4  }
0x84: {  	v5 =	vmul.f32 $8.000000000e+00, v5;
	v2 =	vld [tilespmem:s28+$0x30];
	[tilespmem:s25+$0x120] =	vst v1  }
0x85: {  	v1 =	vld [tilespmem:s28+$0x70];
	[tilespmem:s25+$0x220] =	vst v4;
	v9 =	vmul.f32 $8.000000000e+00, v3  }
0x86: {  	[tilespmem:s25+$0xFFFFFC20] =	vst v5;
	v3 =	vld [tilespmem:s28+$0xB0];
	v6 =	vmul.f32 $8.000000000e+00, v8  }
0x87: {  	s26 =	simm.s32 $0x0;
	v4 =	vld [tilespmem:s28+$0xFFFFFF30];
	v5 =	vmul.f32 $8.000000000e+00, v7;
	s28 =	simm.s32 $0x8700;
	[tilespmem:s25+$0x330] =	vst v9  }
.LBB2_5:
0x88: {  	v7 =	vld [tilespmem:s28+$0xC0];
	s26 =	sadd.s32 $0x8, s26;
	[tilespmem:s25+$0xFFFFFD30] =	vst v6;
	v0 =	vmul.f32 $8.000000000e+00, v0  }
0x89: {  	v6 =	vld [tilespmem:s28+$0xFFFFFF40];
	p1 =	slt.u32 s26, $0x78;
	[tilespmem:s25+$0xFFFFFE30] =	vst v5;
	v2 =	vmul.f32 $8.000000000e+00, v2  }
0x8a: {  	v5 =	vld [tilespmem:s28+$0xFFFFFF80];
	[tilespmem:s25+$0xFFFFFF30] =	vst v0;
	v0 =	vmul.f32 $8.000000000e+00, v1  }
0x8b: {  	v1 =	vld [tilespmem:s28+$0xFFFFFFC0];
	[tilespmem:s25+$0x30] =	vst v2;
	v2 =	vmul.f32 $8.000000000e+00, v3  }
0x8c: {  	v3 =	vld [tilespmem:s28+$0x0];
	v4 =	vmul.f32 $8.000000000e+00, v4;
	[tilespmem:s25+$0x130] =	vst v0  }
0x8d: {  	v0 =	vld [tilespmem:s28+$0x40];
	v7 =	vmul.f32 $8.000000000e+00, v7;
	[tilespmem:s25+$0x230] =	vst v2  }
0x8e: {  	v2 =	vmul.f32 $8.000000000e+00, v6;
	v6 =	vld [tilespmem:s28+$0x80];
	[tilespmem:s25+$0xFFFFFC30] =	vst v4;
	s25 =	sadd.s32 $0x800, s25  }
0x8f: {  	v4 =	vld [tilespmem:s28+$0xFFFFFF00];
	v5 =	vmul.f32 $8.000000000e+00, v5;
	[tilespmem:s25+$0x300] =	vst v7  }
0x90: {  	[tilespmem:s25+$0xFFFFFD00] =	vst v2;
	v1 =	vmul.f32 $8.000000000e+00, v1;
	v2 =	vld [tilespmem:s28+$0xD0]  }
0x91: {  	v7 =	vld [tilespmem:s28+$0xFFFFFF50];
	[tilespmem:s25+$0xFFFFFE00] =	vst v5;
	v3 =	vmul.f32 $8.000000000e+00, v3  }
0x92: {  	v5 =	vld [tilespmem:s28+$0xFFFFFF90];
	[tilespmem:s25+$0xFFFFFF00] =	vst v1;
	v0 =	vmul.f32 $8.000000000e+00, v0  }
0x93: {  	v1 =	vld [tilespmem:s28+$0xFFFFFFD0];
	[tilespmem:s25+$0x0] =	vst v3;
	v3 =	vmul.f32 $8.000000000e+00, v6  }
0x94: {  	v4 =	vmul.f32 $8.000000000e+00, v4;
	v6 =	vld [tilespmem:s28+$0x10];
	[tilespmem:s25+$0x100] =	vst v0  }
0x95: {  	v0 =	vld [tilespmem:s28+$0x50];
	[tilespmem:s25+$0x200] =	vst v3;
	v2 =	vmul.f32 $8.000000000e+00, v2  }
0x96: {  	[tilespmem:s25+$0xFFFFFC00] =	vst v4;
	v3 =	vmul.f32 $8.000000000e+00, v7;
	v4 =	vld [tilespmem:s28+$0x90]  }
0x97: {  	v7 =	vld [tilespmem:s28+$0xFFFFFF10];
	v5 =	vmul.f32 $8.000000000e+00, v5;
	[tilespmem:s25+$0x310] =	vst v2  }
0x98: {  	[tilespmem:s25+$0xFFFFFD10] =	vst v3;
	v1 =	vmul.f32 $8.000000000e+00, v1;
	v2 =	vld [tilespmem:s28+$0xE0]  }
0x99: {  	v3 =	vld [tilespmem:s28+$0xFFFFFF60];
	[tilespmem:s25+$0xFFFFFE10] =	vst v5;
	v5 =	vmul.f32 $8.000000000e+00, v6  }
0x9a: {  	v6 =	vld [tilespmem:s28+$0xFFFFFFA0];
	[tilespmem:s25+$0xFFFFFF10] =	vst v1;
	v0 =	vmul.f32 $8.000000000e+00, v0  }
0x9b: {  	v1 =	vld [tilespmem:s28+$0xFFFFFFE0];
	[tilespmem:s25+$0x10] =	vst v5;
	v4 =	vmul.f32 $8.000000000e+00, v4  }
0x9c: {  	v5 =	vmul.f32 $8.000000000e+00, v7;
	v7 =	vld [tilespmem:s28+$0x20];
	[tilespmem:s25+$0x110] =	vst v0  }
0x9d: {  	v0 =	vld [tilespmem:s28+$0x60];
	[tilespmem:s25+$0x210] =	vst v4;
	v2 =	vmul.f32 $8.000000000e+00, v2  }
0x9e: {  	[tilespmem:s25+$0xFFFFFC10] =	vst v5;
	v3 =	vmul.f32 $8.000000000e+00, v3;
	v4 =	vld [tilespmem:s28+$0xA0]  }
0x9f: {  	v5 =	vld [tilespmem:s28+$0xFFFFFF20];
	v6 =	vmul.f32 $8.000000000e+00, v6;
	[tilespmem:s25+$0x320] =	vst v2  }
0xa0: {  	[tilespmem:s25+$0xFFFFFD20] =	vst v3;
	v1 =	vmul.f32 $8.000000000e+00, v1;
	v3 =	vld [tilespmem:s28+$0xF0]  }
0xa1: {  	v8 =	vld [tilespmem:s28+$0xFFFFFF70];
	[tilespmem:s25+$0xFFFFFE20] =	vst v6;
	v2 =	vmul.f32 $8.000000000e+00, v7  }
0xa2: {  	v7 =	vld [tilespmem:s28+$0xFFFFFFB0];
	[tilespmem:s25+$0xFFFFFF20] =	vst v1;
	v1 =	vmul.f32 $8.000000000e+00, v0  }
.Ltmp1:
0xa3: {  	v0 =	vld [tilespmem:s28+$0xFFFFFFF0];
	[tilespmem:s25+$0x20] =	vst v2;
	v4 =	vmul.f32 $8.000000000e+00, v4;
	(pc) =	sbr.rel @p1 .LBB2_5-.Ltmp1, $4  }
0xa4: {  	v5 =	vmul.f32 $8.000000000e+00, v5;
	v2 =	vld [tilespmem:s28+$0x30];
	[tilespmem:s25+$0x120] =	vst v1  }
0xa5: {  	v1 =	vld [tilespmem:s28+$0x70];
	[tilespmem:s25+$0x220] =	vst v4;
	v9 =	vmul.f32 $8.000000000e+00, v3  }
0xa6: {  	[tilespmem:s25+$0xFFFFFC20] =	vst v5;
	v6 =	vmul.f32 $8.000000000e+00, v8;
	v3 =	vld [tilespmem:s28+$0xB0]  }
0xa7: {  	v4 =	vld [tilespmem:s28+$0xFFFFFF30];
	v5 =	vmul.f32 $8.000000000e+00, v7;
	[tilespmem:s25+$0x330] =	vst v9;
	s28 =	sadd.s32 $0x200, s28  }
0xa8: {  	[tilespmem:s25+$0xFFFFFD30] =	vst v6;
	v0 =	vmul.f32 $8.000000000e+00, v0  }
0xa9: {  	[tilespmem:s25+$0xFFFFFE30] =	vst v5;
	v2 =	vmul.f32 $8.000000000e+00, v2  }
0xaa: {  	[tilespmem:s25+$0xFFFFFF30] =	vst v0;
	v0 =	vmul.f32 $8.000000000e+00, v1  }
0xab: {  	[tilespmem:s25+$0x30] =	vst v2;
	v1 =	vmul.f32 $8.000000000e+00, v3  }
0xac: {  	v2 =	vmul.f32 $8.000000000e+00, v4;
	[tilespmem:s25+$0x130] =	vst v0  }
0xad: {  	[tilespmem:s25+$0x230] =	vst v1  }
0xae: {  	s31 =	sadd.s32 $0x180, s24;
	[tilespmem:s25+$0xFFFFFC30] =	vst v2  }
0xaf: {  	[tilespmem:s12], [sflag:$0x2] =	stream.indirect.gather [hbm4b:s4+s8], $0x40, s31, s8, $0xb8;
	[tilespmem:$0x1A400] =	vst v63  }
0xb0: {  	_ =	swait.ge [sflag:s13], $0x2000  }
0xb1: {  	[sflag:s13] =	ssyncset.done $0x0  }
0xb2: {  	s28 =	simm.s32 $0x6500;
	[sflag:s13] =	ssyncadd.s32 $0xFFFFE000  }
0xb3: {  	v0 =	vld [tilespmem:s28+$0xC0]  }
0xb4: {  	v1 =	vld [tilespmem:s28+$0xFFFFFF40]  }
0xb5: {  	v2 =	vld [tilespmem:s28+$0xFFFFFF80]  }
0xb6: {  	v3 =	vld [tilespmem:s28+$0xFFFFFFC0]  }
0xb7: {  	v4 =	vld [tilespmem:s28+$0x0]  }
0xb8: {  	v5 =	vld [tilespmem:s28+$0x40];
	v0 =	vmul.f32 $8.000000000e+00, v0  }
0xb9: {  	s25 =	simm.s32 $0xA880;
	v6 =	vld [tilespmem:s28+$0x80];
	v1 =	vmul.f32 $8.000000000e+00, v1  }
0xba: {  	v7 =	vld [tilespmem:s28+$0xFFFFFF00];
	v2 =	vmul.f32 $8.000000000e+00, v2;
	[tilespmem:s25+$0x300] =	vst v0  }
0xbb: {  	[tilespmem:s25+$0xFFFFFD00] =	vst v1;
	v0 =	vmul.f32 $8.000000000e+00, v3;
	v1 =	vld [tilespmem:s28+$0xD0]  }
0xbc: {  	[tilespmem:s25+$0xFFFFFE00] =	vst v2;
	v2 =	vmul.f32 $8.000000000e+00, v4;
	v3 =	vld [tilespmem:s28+$0xFFFFFF50]  }
0xbd: {  	v4 =	vld [tilespmem:s28+$0xFFFFFF90];
	[tilespmem:s25+$0xFFFFFF00] =	vst v0;
	v0 =	vmul.f32 $8.000000000e+00, v5  }
0xbe: {  	[tilespmem:s25+$0x0] =	vst v2;
	v2 =	vmul.f32 $8.000000000e+00, v6;
	v5 =	vld [tilespmem:s28+$0xFFFFFFD0]  }
0xbf: {  	v6 =	vmul.f32 $8.000000000e+00, v7;
	v7 =	vld [tilespmem:s28+$0x10];
	[tilespmem:s25+$0x100] =	vst v0  }
0xc0: {  	[tilespmem:s25+$0x200] =	vst v2;
	v0 =	vld [tilespmem:s28+$0x50];
	v1 =	vmul.f32 $8.000000000e+00, v1  }
0xc1: {  	[tilespmem:s25+$0xFFFFFC00] =	vst v6;
	v2 =	vmul.f32 $8.000000000e+00, v3;
	v3 =	vld [tilespmem:s28+$0x90]  }
0xc2: {  	v6 =	vld [tilespmem:s28+$0xFFFFFF10];
	v4 =	vmul.f32 $8.000000000e+00, v4;
	[tilespmem:s25+$0x310] =	vst v1  }
0xc3: {  	[tilespmem:s25+$0xFFFFFD10] =	vst v2;
	v1 =	vmul.f32 $8.000000000e+00, v5;
	v2 =	vld [tilespmem:s28+$0xE0]  }
0xc4: {  	[tilespmem:s25+$0xFFFFFE10] =	vst v4;
	v4 =	vmul.f32 $8.000000000e+00, v7;
	v5 =	vld [tilespmem:s28+$0xFFFFFF60]  }
0xc5: {  	v7 =	vld [tilespmem:s28+$0xFFFFFFA0];
	[tilespmem:s25+$0xFFFFFF10] =	vst v1;
	v0 =	vmul.f32 $8.000000000e+00, v0  }
0xc6: {  	[tilespmem:s25+$0x10] =	vst v4;
	v1 =	vld [tilespmem:s28+$0xFFFFFFE0];
	v3 =	vmul.f32 $8.000000000e+00, v3  }
0xc7: {  	v4 =	vmul.f32 $8.000000000e+00, v6;
	v6 =	vld [tilespmem:s28+$0x20];
	[tilespmem:s25+$0x110] =	vst v0  }
0xc8: {  	v0 =	vld [tilespmem:s28+$0x60];
	[tilespmem:s25+$0x210] =	vst v3;
	v2 =	vmul.f32 $8.000000000e+00, v2  }
0xc9: {  	[tilespmem:s25+$0xFFFFFC10] =	vst v4;
	v3 =	vmul.f32 $8.000000000e+00, v5;
	v4 =	vld [tilespmem:s28+$0xA0]  }
0xca: {  	v5 =	vld [tilespmem:s28+$0xFFFFFF20];
	v7 =	vmul.f32 $8.000000000e+00, v7;
	[tilespmem:s25+$0x320] =	vst v2  }
0xcb: {  	[tilespmem:s25+$0xFFFFFD20] =	vst v3;
	v1 =	vmul.f32 $8.000000000e+00, v1;
	v3 =	vld [tilespmem:s28+$0xF0]  }
0xcc: {  	[tilespmem:s25+$0xFFFFFE20] =	vst v7;
	v2 =	vmul.f32 $8.000000000e+00, v6;
	v8 =	vld [tilespmem:s28+$0xFFFFFF70]  }
0xcd: {  	v7 =	vld [tilespmem:s28+$0xFFFFFFB0];
	[tilespmem:s25+$0xFFFFFF20] =	vst v1;
	v1 =	vmul.f32 $8.000000000e+00, v0  }
0xce: {  	[tilespmem:s25+$0x20] =	vst v2;
	v0 =	vld [tilespmem:s28+$0xFFFFFFF0];
	v4 =	vmul.f32 $8.000000000e+00, v4  }
0xcf: {  	v5 =	vmul.f32 $8.000000000e+00, v5;
	v2 =	vld [tilespmem:s28+$0x30];
	[tilespmem:s25+$0x120] =	vst v1  }
0xd0: {  	v1 =	vld [tilespmem:s28+$0x70];
	[tilespmem:s25+$0x220] =	vst v4;
	v9 =	vmul.f32 $8.000000000e+00, v3  }
0xd1: {  	[tilespmem:s25+$0xFFFFFC20] =	vst v5;
	v3 =	vld [tilespmem:s28+$0xB0];
	v6 =	vmul.f32 $8.000000000e+00, v8  }
0xd2: {  	s26 =	simm.s32 $0x0;
	v4 =	vld [tilespmem:s28+$0xFFFFFF30];
	v5 =	vmul.f32 $8.000000000e+00, v7;
	s28 =	simm.s32 $0x6700;
	[tilespmem:s25+$0x330] =	vst v9  }
.LBB2_7:
0xd3: {  	v7 =	vld [tilespmem:s28+$0xC0];
	s26 =	sadd.s32 $0x8, s26;
	[tilespmem:s25+$0xFFFFFD30] =	vst v6;
	v0 =	vmul.f32 $8.000000000e+00, v0  }
0xd4: {  	v6 =	vld [tilespmem:s28+$0xFFFFFF40];
	p1 =	slt.u32 s26, $0x78;
	[tilespmem:s25+$0xFFFFFE30] =	vst v5;
	v2 =	vmul.f32 $8.000000000e+00, v2  }
0xd5: {  	v5 =	vld [tilespmem:s28+$0xFFFFFF80];
	[tilespmem:s25+$0xFFFFFF30] =	vst v0;
	v0 =	vmul.f32 $8.000000000e+00, v1  }
0xd6: {  	v1 =	vld [tilespmem:s28+$0xFFFFFFC0];
	[tilespmem:s25+$0x30] =	vst v2;
	v2 =	vmul.f32 $8.000000000e+00, v3  }
0xd7: {  	v3 =	vld [tilespmem:s28+$0x0];
	v4 =	vmul.f32 $8.000000000e+00, v4;
	[tilespmem:s25+$0x130] =	vst v0  }
0xd8: {  	v0 =	vld [tilespmem:s28+$0x40];
	v7 =	vmul.f32 $8.000000000e+00, v7;
	[tilespmem:s25+$0x230] =	vst v2  }
0xd9: {  	v2 =	vmul.f32 $8.000000000e+00, v6;
	v6 =	vld [tilespmem:s28+$0x80];
	[tilespmem:s25+$0xFFFFFC30] =	vst v4;
	s25 =	sadd.s32 $0x800, s25  }
0xda: {  	v4 =	vld [tilespmem:s28+$0xFFFFFF00];
	v5 =	vmul.f32 $8.000000000e+00, v5;
	[tilespmem:s25+$0x300] =	vst v7  }
0xdb: {  	[tilespmem:s25+$0xFFFFFD00] =	vst v2;
	v1 =	vmul.f32 $8.000000000e+00, v1;
	v2 =	vld [tilespmem:s28+$0xD0]  }
0xdc: {  	v7 =	vld [tilespmem:s28+$0xFFFFFF50];
	[tilespmem:s25+$0xFFFFFE00] =	vst v5;
	v3 =	vmul.f32 $8.000000000e+00, v3  }
0xdd: {  	v5 =	vld [tilespmem:s28+$0xFFFFFF90];
	[tilespmem:s25+$0xFFFFFF00] =	vst v1;
	v0 =	vmul.f32 $8.000000000e+00, v0  }
0xde: {  	v1 =	vld [tilespmem:s28+$0xFFFFFFD0];
	[tilespmem:s25+$0x0] =	vst v3;
	v3 =	vmul.f32 $8.000000000e+00, v6  }
0xdf: {  	v4 =	vmul.f32 $8.000000000e+00, v4;
	v6 =	vld [tilespmem:s28+$0x10];
	[tilespmem:s25+$0x100] =	vst v0  }
0xe0: {  	v0 =	vld [tilespmem:s28+$0x50];
	[tilespmem:s25+$0x200] =	vst v3;
	v2 =	vmul.f32 $8.000000000e+00, v2  }
0xe1: {  	[tilespmem:s25+$0xFFFFFC00] =	vst v4;
	v3 =	vmul.f32 $8.000000000e+00, v7;
	v4 =	vld [tilespmem:s28+$0x90]  }
0xe2: {  	v7 =	vld [tilespmem:s28+$0xFFFFFF10];
	v5 =	vmul.f32 $8.000000000e+00, v5;
	[tilespmem:s25+$0x310] =	vst v2  }
0xe3: {  	[tilespmem:s25+$0xFFFFFD10] =	vst v3;
	v1 =	vmul.f32 $8.000000000e+00, v1;
	v2 =	vld [tilespmem:s28+$0xE0]  }
0xe4: {  	v3 =	vld [tilespmem:s28+$0xFFFFFF60];
	[tilespmem:s25+$0xFFFFFE10] =	vst v5;
	v5 =	vmul.f32 $8.000000000e+00, v6  }
0xe5: {  	v6 =	vld [tilespmem:s28+$0xFFFFFFA0];
	[tilespmem:s25+$0xFFFFFF10] =	vst v1;
	v0 =	vmul.f32 $8.000000000e+00, v0  }
0xe6: {  	v1 =	vld [tilespmem:s28+$0xFFFFFFE0];
	[tilespmem:s25+$0x10] =	vst v5;
	v4 =	vmul.f32 $8.000000000e+00, v4  }
0xe7: {  	v5 =	vmul.f32 $8.000000000e+00, v7;
	v7 =	vld [tilespmem:s28+$0x20];
	[tilespmem:s25+$0x110] =	vst v0  }
0xe8: {  	v0 =	vld [tilespmem:s28+$0x60];
	[tilespmem:s25+$0x210] =	vst v4;
	v2 =	vmul.f32 $8.000000000e+00, v2  }
0xe9: {  	[tilespmem:s25+$0xFFFFFC10] =	vst v5;
	v3 =	vmul.f32 $8.000000000e+00, v3;
	v4 =	vld [tilespmem:s28+$0xA0]  }
0xea: {  	v5 =	vld [tilespmem:s28+$0xFFFFFF20];
	v6 =	vmul.f32 $8.000000000e+00, v6;
	[tilespmem:s25+$0x320] =	vst v2  }
0xeb: {  	[tilespmem:s25+$0xFFFFFD20] =	vst v3;
	v1 =	vmul.f32 $8.000000000e+00, v1;
	v3 =	vld [tilespmem:s28+$0xF0]  }
0xec: {  	v8 =	vld [tilespmem:s28+$0xFFFFFF70];
	[tilespmem:s25+$0xFFFFFE20] =	vst v6;
	v2 =	vmul.f32 $8.000000000e+00, v7  }
0xed: {  	v7 =	vld [tilespmem:s28+$0xFFFFFFB0];
	[tilespmem:s25+$0xFFFFFF20] =	vst v1;
	v1 =	vmul.f32 $8.000000000e+00, v0  }
.Ltmp2:
0xee: {  	v0 =	vld [tilespmem:s28+$0xFFFFFFF0];
	[tilespmem:s25+$0x20] =	vst v2;
	v4 =	vmul.f32 $8.000000000e+00, v4;
	(pc) =	sbr.rel @p1 .LBB2_7-.Ltmp2, $4  }
0xef: {  	v5 =	vmul.f32 $8.000000000e+00, v5;
	v2 =	vld [tilespmem:s28+$0x30];
	[tilespmem:s25+$0x120] =	vst v1  }
0xf0: {  	v1 =	vld [tilespmem:s28+$0x70];
	[tilespmem:s25+$0x220] =	vst v4;
	v9 =	vmul.f32 $8.000000000e+00, v3  }
0xf1: {  	[tilespmem:s25+$0xFFFFFC20] =	vst v5;
	v6 =	vmul.f32 $8.000000000e+00, v8;
	v3 =	vld [tilespmem:s28+$0xB0]  }
0xf2: {  	v4 =	vld [tilespmem:s28+$0xFFFFFF30];
	v5 =	vmul.f32 $8.000000000e+00, v7;
	[tilespmem:s25+$0x330] =	vst v9;
	s28 =	sadd.s32 $0x200, s28  }
0xf3: {  	[tilespmem:s25+$0xFFFFFD30] =	vst v6;
	v0 =	vmul.f32 $8.000000000e+00, v0  }
0xf4: {  	[tilespmem:s25+$0xFFFFFE30] =	vst v5;
	v2 =	vmul.f32 $8.000000000e+00, v2  }
0xf5: {  	[tilespmem:s25+$0xFFFFFF30] =	vst v0;
	v0 =	vmul.f32 $8.000000000e+00, v1  }
0xf6: {  	[tilespmem:s25+$0x30] =	vst v2;
	v1 =	vmul.f32 $8.000000000e+00, v3  }
0xf7: {  	v2 =	vmul.f32 $8.000000000e+00, v4;
	[tilespmem:s25+$0x130] =	vst v0  }
0xf8: {  	[tilespmem:s25+$0x230] =	vst v1  }
0xf9: {  	s31 =	sadd.s32 $0x200, s24;
	[tilespmem:s25+$0xFFFFFC30] =	vst v2  }
0xfa: {  	[tilespmem:s11], [sflag:$0x1] =	stream.indirect.gather [hbm4b:s4+s8], $0x40, s31, s8, $0xb8;
	[tilespmem:$0x1A400] =	vst v63  }
0xfb: {  	_ =	swait.ge [sflag:s14], $0x2000  }
0xfc: {  	[sflag:s14] =	ssyncset.done $0x0  }
0xfd: {  	s28 =	simm.s32 $0x8500;
	[sflag:s14] =	ssyncadd.s32 $0xFFFFE000  }
0xfe: {  	v0 =	vld [tilespmem:s28+$0xC0]  }
0xff: {  	v1 =	vld [tilespmem:s28+$0xFFFFFF40]  }
0x100: {  	v2 =	vld [tilespmem:s28+$0xFFFFFF80]  }
0x101: {  	v3 =	vld [tilespmem:s28+$0xFFFFFFC0]  }
0x102: {  	v4 =	vld [tilespmem:s28+$0x0]  }
0x103: {  	v5 =	vld [tilespmem:s28+$0x40];
	v0 =	vmul.f32 $8.000000000e+00, v0  }
0x104: {  	s25 =	simm.s32 $0xA8C0;
	v6 =	vld [tilespmem:s28+$0x80];
	v1 =	vmul.f32 $8.000000000e+00, v1  }
0x105: {  	v7 =	vld [tilespmem:s28+$0xFFFFFF00];
	v2 =	vmul.f32 $8.000000000e+00, v2;
	[tilespmem:s25+$0x300] =	vst v0  }
0x106: {  	[tilespmem:s25+$0xFFFFFD00] =	vst v1;
	v0 =	vmul.f32 $8.000000000e+00, v3;
	v1 =	vld [tilespmem:s28+$0xD0]  }
0x107: {  	[tilespmem:s25+$0xFFFFFE00] =	vst v2;
	v2 =	vmul.f32 $8.000000000e+00, v4;
	v3 =	vld [tilespmem:s28+$0xFFFFFF50]  }
0x108: {  	v4 =	vld [tilespmem:s28+$0xFFFFFF90];
	[tilespmem:s25+$0xFFFFFF00] =	vst v0;
	v0 =	vmul.f32 $8.000000000e+00, v5  }
0x109: {  	[tilespmem:s25+$0x0] =	vst v2;
	v2 =	vmul.f32 $8.000000000e+00, v6;
	v5 =	vld [tilespmem:s28+$0xFFFFFFD0]  }
0x10a: {  	v6 =	vmul.f32 $8.000000000e+00, v7;
	v7 =	vld [tilespmem:s28+$0x10];
	[tilespmem:s25+$0x100] =	vst v0  }
0x10b: {  	[tilespmem:s25+$0x200] =	vst v2;
	v0 =	vld [tilespmem:s28+$0x50];
	v1 =	vmul.f32 $8.000000000e+00, v1  }
0x10c: {  	[tilespmem:s25+$0xFFFFFC00] =	vst v6;
	v2 =	vmul.f32 $8.000000000e+00, v3;
	v3 =	vld [tilespmem:s28+$0x90]  }
0x10d: {  	v6 =	vld [tilespmem:s28+$0xFFFFFF10];
	v4 =	vmul.f32 $8.000000000e+00, v4;
	[tilespmem:s25+$0x310] =	vst v1  }
0x10e: {  	[tilespmem:s25+$0xFFFFFD10] =	vst v2;
	v1 =	vmul.f32 $8.000000000e+00, v5;
	v2 =	vld [tilespmem:s28+$0xE0]  }
0x10f: {  	[tilespmem:s25+$0xFFFFFE10] =	vst v4;
	v4 =	vmul.f32 $8.000000000e+00, v7;
	v5 =	vld [tilespmem:s28+$0xFFFFFF60]  }
0x110: {  	v7 =	vld [tilespmem:s28+$0xFFFFFFA0];
	[tilespmem:s25+$0xFFFFFF10] =	vst v1;
	v0 =	vmul.f32 $8.000000000e+00, v0  }
0x111: {  	[tilespmem:s25+$0x10] =	vst v4;
	v1 =	vld [tilespmem:s28+$0xFFFFFFE0];
	v3 =	vmul.f32 $8.000000000e+00, v3  }
0x112: {  	v4 =	vmul.f32 $8.000000000e+00, v6;
	v6 =	vld [tilespmem:s28+$0x20];
	[tilespmem:s25+$0x110] =	vst v0  }
0x113: {  	v0 =	vld [tilespmem:s28+$0x60];
	[tilespmem:s25+$0x210] =	vst v3;
	v2 =	vmul.f32 $8.000000000e+00, v2  }
0x114: {  	[tilespmem:s25+$0xFFFFFC10] =	vst v4;
	v3 =	vmul.f32 $8.000000000e+00, v5;
	v4 =	vld [tilespmem:s28+$0xA0]  }
0x115: {  	v5 =	vld [tilespmem:s28+$0xFFFFFF20];
	v7 =	vmul.f32 $8.000000000e+00, v7;
	[tilespmem:s25+$0x320] =	vst v2  }
0x116: {  	[tilespmem:s25+$0xFFFFFD20] =	vst v3;
	v1 =	vmul.f32 $8.000000000e+00, v1;
	v3 =	vld [tilespmem:s28+$0xF0]  }
0x117: {  	[tilespmem:s25+$0xFFFFFE20] =	vst v7;
	v2 =	vmul.f32 $8.000000000e+00, v6;
	v8 =	vld [tilespmem:s28+$0xFFFFFF70]  }
0x118: {  	v7 =	vld [tilespmem:s28+$0xFFFFFFB0];
	[tilespmem:s25+$0xFFFFFF20] =	vst v1;
	v1 =	vmul.f32 $8.000000000e+00, v0  }
0x119: {  	[tilespmem:s25+$0x20] =	vst v2;
	v0 =	vld [tilespmem:s28+$0xFFFFFFF0];
	v4 =	vmul.f32 $8.000000000e+00, v4  }
0x11a: {  	v5 =	vmul.f32 $8.000000000e+00, v5;
	v2 =	vld [tilespmem:s28+$0x30];
	[tilespmem:s25+$0x120] =	vst v1  }
0x11b: {  	v1 =	vld [tilespmem:s28+$0x70];
	[tilespmem:s25+$0x220] =	vst v4;
	v9 =	vmul.f32 $8.000000000e+00, v3  }
0x11c: {  	[tilespmem:s25+$0xFFFFFC20] =	vst v5;
	v3 =	vld [tilespmem:s28+$0xB0];
	v6 =	vmul.f32 $8.000000000e+00, v8  }
0x11d: {  	s26 =	simm.s32 $0x0;
	v4 =	vld [tilespmem:s28+$0xFFFFFF30];
	v5 =	vmul.f32 $8.000000000e+00, v7;
	s28 =	simm.s32 $0x8700;
	[tilespmem:s25+$0x330] =	vst v9  }
.LBB2_9:
0x11e: {  	v7 =	vld [tilespmem:s28+$0xC0];
	s26 =	sadd.s32 $0x8, s26;
	[tilespmem:s25+$0xFFFFFD30] =	vst v6;
	v0 =	vmul.f32 $8.000000000e+00, v0  }
0x11f: {  	v6 =	vld [tilespmem:s28+$0xFFFFFF40];
	p1 =	slt.u32 s26, $0x78;
	[tilespmem:s25+$0xFFFFFE30] =	vst v5;
	v2 =	vmul.f32 $8.000000000e+00, v2  }
0x120: {  	v5 =	vld [tilespmem:s28+$0xFFFFFF80];
	[tilespmem:s25+$0xFFFFFF30] =	vst v0;
	v0 =	vmul.f32 $8.000000000e+00, v1  }
0x121: {  	v1 =	vld [tilespmem:s28+$0xFFFFFFC0];
	[tilespmem:s25+$0x30] =	vst v2;
	v2 =	vmul.f32 $8.000000000e+00, v3  }
0x122: {  	v3 =	vld [tilespmem:s28+$0x0];
	v4 =	vmul.f32 $8.000000000e+00, v4;
	[tilespmem:s25+$0x130] =	vst v0  }
0x123: {  	v0 =	vld [tilespmem:s28+$0x40];
	v7 =	vmul.f32 $8.000000000e+00, v7;
	[tilespmem:s25+$0x230] =	vst v2  }
0x124: {  	v2 =	vmul.f32 $8.000000000e+00, v6;
	v6 =	vld [tilespmem:s28+$0x80];
	[tilespmem:s25+$0xFFFFFC30] =	vst v4;
	s25 =	sadd.s32 $0x800, s25  }
0x125: {  	v4 =	vld [tilespmem:s28+$0xFFFFFF00];
	v5 =	vmul.f32 $8.000000000e+00, v5;
	[tilespmem:s25+$0x300] =	vst v7  }
0x126: {  	[tilespmem:s25+$0xFFFFFD00] =	vst v2;
	v1 =	vmul.f32 $8.000000000e+00, v1;
	v2 =	vld [tilespmem:s28+$0xD0]  }
0x127: {  	v7 =	vld [tilespmem:s28+$0xFFFFFF50];
	[tilespmem:s25+$0xFFFFFE00] =	vst v5;
	v3 =	vmul.f32 $8.000000000e+00, v3  }
0x128: {  	v5 =	vld [tilespmem:s28+$0xFFFFFF90];
	[tilespmem:s25+$0xFFFFFF00] =	vst v1;
	v0 =	vmul.f32 $8.000000000e+00, v0  }
0x129: {  	v1 =	vld [tilespmem:s28+$0xFFFFFFD0];
	[tilespmem:s25+$0x0] =	vst v3;
	v3 =	vmul.f32 $8.000000000e+00, v6  }
0x12a: {  	v4 =	vmul.f32 $8.000000000e+00, v4;
	v6 =	vld [tilespmem:s28+$0x10];
	[tilespmem:s25+$0x100] =	vst v0  }
0x12b: {  	v0 =	vld [tilespmem:s28+$0x50];
	[tilespmem:s25+$0x200] =	vst v3;
	v2 =	vmul.f32 $8.000000000e+00, v2  }
0x12c: {  	[tilespmem:s25+$0xFFFFFC00] =	vst v4;
	v3 =	vmul.f32 $8.000000000e+00, v7;
	v4 =	vld [tilespmem:s28+$0x90]  }
0x12d: {  	v7 =	vld [tilespmem:s28+$0xFFFFFF10];
	v5 =	vmul.f32 $8.000000000e+00, v5;
	[tilespmem:s25+$0x310] =	vst v2  }
0x12e: {  	[tilespmem:s25+$0xFFFFFD10] =	vst v3;
	v1 =	vmul.f32 $8.000000000e+00, v1;
	v2 =	vld [tilespmem:s28+$0xE0]  }
0x12f: {  	v3 =	vld [tilespmem:s28+$0xFFFFFF60];
	[tilespmem:s25+$0xFFFFFE10] =	vst v5;
	v5 =	vmul.f32 $8.000000000e+00, v6  }
0x130: {  	v6 =	vld [tilespmem:s28+$0xFFFFFFA0];
	[tilespmem:s25+$0xFFFFFF10] =	vst v1;
	v0 =	vmul.f32 $8.000000000e+00, v0  }
0x131: {  	v1 =	vld [tilespmem:s28+$0xFFFFFFE0];
	[tilespmem:s25+$0x10] =	vst v5;
	v4 =	vmul.f32 $8.000000000e+00, v4  }
0x132: {  	v5 =	vmul.f32 $8.000000000e+00, v7;
	v7 =	vld [tilespmem:s28+$0x20];
	[tilespmem:s25+$0x110] =	vst v0  }
0x133: {  	v0 =	vld [tilespmem:s28+$0x60];
	[tilespmem:s25+$0x210] =	vst v4;
	v2 =	vmul.f32 $8.000000000e+00, v2  }
0x134: {  	[tilespmem:s25+$0xFFFFFC10] =	vst v5;
	v3 =	vmul.f32 $8.000000000e+00, v3;
	v4 =	vld [tilespmem:s28+$0xA0]  }
0x135: {  	v5 =	vld [tilespmem:s28+$0xFFFFFF20];
	v6 =	vmul.f32 $8.000000000e+00, v6;
	[tilespmem:s25+$0x320] =	vst v2  }
0x136: {  	[tilespmem:s25+$0xFFFFFD20] =	vst v3;
	v1 =	vmul.f32 $8.000000000e+00, v1;
	v3 =	vld [tilespmem:s28+$0xF0]  }
0x137: {  	v8 =	vld [tilespmem:s28+$0xFFFFFF70];
	[tilespmem:s25+$0xFFFFFE20] =	vst v6;
	v2 =	vmul.f32 $8.000000000e+00, v7  }
0x138: {  	v7 =	vld [tilespmem:s28+$0xFFFFFFB0];
	[tilespmem:s25+$0xFFFFFF20] =	vst v1;
	v1 =	vmul.f32 $8.000000000e+00, v0  }
.Ltmp3:
0x139: {  	v0 =	vld [tilespmem:s28+$0xFFFFFFF0];
	[tilespmem:s25+$0x20] =	vst v2;
	v4 =	vmul.f32 $8.000000000e+00, v4;
	(pc) =	sbr.rel @p1 .LBB2_9-.Ltmp3, $4  }
0x13a: {  	v5 =	vmul.f32 $8.000000000e+00, v5;
	v2 =	vld [tilespmem:s28+$0x30];
	[tilespmem:s25+$0x120] =	vst v1  }
0x13b: {  	v1 =	vld [tilespmem:s28+$0x70];
	[tilespmem:s25+$0x220] =	vst v4;
	v9 =	vmul.f32 $8.000000000e+00, v3  }
0x13c: {  	[tilespmem:s25+$0xFFFFFC20] =	vst v5;
	v6 =	vmul.f32 $8.000000000e+00, v8;
	v3 =	vld [tilespmem:s28+$0xB0]  }
0x13d: {  	v4 =	vld [tilespmem:s28+$0xFFFFFF30];
	v5 =	vmul.f32 $8.000000000e+00, v7;
	[tilespmem:s25+$0x330] =	vst v9;
	s28 =	sadd.s32 $0x200, s28  }
0x13e: {  	[tilespmem:s25+$0xFFFFFD30] =	vst v6;
	v0 =	vmul.f32 $8.000000000e+00, v0  }
0x13f: {  	[tilespmem:s25+$0xFFFFFE30] =	vst v5;
	v2 =	vmul.f32 $8.000000000e+00, v2  }
0x140: {  	[tilespmem:s25+$0xFFFFFF30] =	vst v0;
	v0 =	vmul.f32 $8.000000000e+00, v1  }
0x141: {  	[tilespmem:s25+$0x30] =	vst v2;
	v1 =	vmul.f32 $8.000000000e+00, v3  }
0x142: {  	v2 =	vmul.f32 $8.000000000e+00, v4;
	[tilespmem:s25+$0x130] =	vst v0  }
0x143: {  	[tilespmem:s25+$0x230] =	vst v1  }
0x144: {  	s24 =	sadd.s32 $0x280, s24;
	s31 =	sshll.u32 s22, $0x9;
	[tilespmem:s25+$0xFFFFFC30] =	vst v2  }
0x145: {  	[tilespmem:s12], [sflag:$0x2] =	stream.indirect.gather [hbm4b:s4+s8], $0x40, s24, s8, $0xb8;
	[tilespmem:$0x1A400] =	vst v63  }
0x146: {  	s24 =	sadd.s32 s6, s31  }
0x147: {  	s24 =	sshrl.u32 s24, $0x3  }
0x148: {  	s24 =	sadd.s32 s2, s24  }
0x149: {  	[hbm4b:s24+s15] =	stream.strided.scatter [tilespmem:s17], [sflag:$0x3], $0x8000, s16, s15, $0x38;
	[tilespmem:$0x1A400] =	vst v63  }
0x14a: {  	s24 =	simm.s32 @!p0 $0x4  }
0x14b: {  	_ =	swait.ge @!p0 [sflag:s24], $0x8000  }
0x14c: {  	[sflag:s24] =	ssyncset.done @!p0 $0x0  }
0x14d: {  	[sflag:s24] =	ssyncadd.s32 @!p0 $0xFFFF8000  }
0x14e: {  	_ =	swait.ge [sflag:s13], $0x2000  }
0x14f: {  	[sflag:s13] =	ssyncset.done $0x0  }
0x150: {  	s26 =	simm.s32 $0x6500;
	[sflag:s13] =	ssyncadd.s32 $0xFFFFE000  }
0x151: {  	v0 =	vld [tilespmem:s26+$0xC0]  }
0x152: {  	v1 =	vld [tilespmem:s26+$0xFFFFFF40]  }
0x153: {  	v2 =	vld [tilespmem:s26+$0xFFFFFF80]  }
0x154: {  	v3 =	vld [tilespmem:s26+$0xFFFFFFC0]  }
0x155: {  	v4 =	vld [tilespmem:s26+$0x0]  }
0x156: {  	v5 =	vld [tilespmem:s26+$0x40];
	v0 =	vmul.f32 $8.000000000e+00, v0  }
0x157: {  	s25 =	simm.s32 $0x12800;
	v6 =	vld [tilespmem:s26+$0x80];
	v1 =	vmul.f32 $8.000000000e+00, v1  }
0x158: {  	v7 =	vld [tilespmem:s26+$0xFFFFFF00];
	v2 =	vmul.f32 $8.000000000e+00, v2;
	[tilespmem:s25+$0x300] =	vst v0  }
0x159: {  	[tilespmem:s25+$0xFFFFFD00] =	vst v1;
	v0 =	vmul.f32 $8.000000000e+00, v3;
	v1 =	vld [tilespmem:s26+$0xD0]  }
0x15a: {  	[tilespmem:s25+$0xFFFFFE00] =	vst v2;
	v2 =	vmul.f32 $8.000000000e+00, v4;
	v3 =	vld [tilespmem:s26+$0xFFFFFF50]  }
0x15b: {  	v4 =	vld [tilespmem:s26+$0xFFFFFF90];
	[tilespmem:s25+$0xFFFFFF00] =	vst v0;
	v0 =	vmul.f32 $8.000000000e+00, v5  }
0x15c: {  	[tilespmem:s25+$0x0] =	vst v2;
	v2 =	vmul.f32 $8.000000000e+00, v6;
	v5 =	vld [tilespmem:s26+$0xFFFFFFD0]  }
0x15d: {  	v6 =	vmul.f32 $8.000000000e+00, v7;
	v7 =	vld [tilespmem:s26+$0x10];
	[tilespmem:s25+$0x100] =	vst v0  }
0x15e: {  	[tilespmem:s25+$0x200] =	vst v2;
	v0 =	vld [tilespmem:s26+$0x50];
	v1 =	vmul.f32 $8.000000000e+00, v1  }
0x15f: {  	[tilespmem:s25+$0xFFFFFC00] =	vst v6;
	v2 =	vmul.f32 $8.000000000e+00, v3;
	v3 =	vld [tilespmem:s26+$0x90]  }
0x160: {  	v6 =	vld [tilespmem:s26+$0xFFFFFF10];
	v4 =	vmul.f32 $8.000000000e+00, v4;
	[tilespmem:s25+$0x310] =	vst v1  }
0x161: {  	[tilespmem:s25+$0xFFFFFD10] =	vst v2;
	v1 =	vmul.f32 $8.000000000e+00, v5;
	v2 =	vld [tilespmem:s26+$0xE0]  }
0x162: {  	[tilespmem:s25+$0xFFFFFE10] =	vst v4;
	v4 =	vmul.f32 $8.000000000e+00, v7;
	v5 =	vld [tilespmem:s26+$0xFFFFFF60]  }
0x163: {  	v7 =	vld [tilespmem:s26+$0xFFFFFFA0];
	[tilespmem:s25+$0xFFFFFF10] =	vst v1;
	v0 =	vmul.f32 $8.000000000e+00, v0  }
0x164: {  	[tilespmem:s25+$0x10] =	vst v4;
	v1 =	vld [tilespmem:s26+$0xFFFFFFE0];
	v3 =	vmul.f32 $8.000000000e+00, v3  }
0x165: {  	v4 =	vmul.f32 $8.000000000e+00, v6;
	v6 =	vld [tilespmem:s26+$0x20];
	[tilespmem:s25+$0x110] =	vst v0  }
0x166: {  	v0 =	vld [tilespmem:s26+$0x60];
	[tilespmem:s25+$0x210] =	vst v3;
	v2 =	vmul.f32 $8.000000000e+00, v2  }
0x167: {  	[tilespmem:s25+$0xFFFFFC10] =	vst v4;
	v3 =	vmul.f32 $8.000000000e+00, v5;
	v4 =	vld [tilespmem:s26+$0xA0]  }
0x168: {  	v5 =	vld [tilespmem:s26+$0xFFFFFF20];
	v7 =	vmul.f32 $8.000000000e+00, v7;
	[tilespmem:s25+$0x320] =	vst v2  }
0x169: {  	[tilespmem:s25+$0xFFFFFD20] =	vst v3;
	v1 =	vmul.f32 $8.000000000e+00, v1;
	v3 =	vld [tilespmem:s26+$0xF0]  }
0x16a: {  	[tilespmem:s25+$0xFFFFFE20] =	vst v7;
	v2 =	vmul.f32 $8.000000000e+00, v6;
	v8 =	vld [tilespmem:s26+$0xFFFFFF70]  }
0x16b: {  	v7 =	vld [tilespmem:s26+$0xFFFFFFB0];
	[tilespmem:s25+$0xFFFFFF20] =	vst v1;
	v1 =	vmul.f32 $8.000000000e+00, v0  }
0x16c: {  	[tilespmem:s25+$0x20] =	vst v2;
	v0 =	vld [tilespmem:s26+$0xFFFFFFF0];
	v4 =	vmul.f32 $8.000000000e+00, v4  }
0x16d: {  	v5 =	vmul.f32 $8.000000000e+00, v5;
	v2 =	vld [tilespmem:s26+$0x30];
	[tilespmem:s25+$0x120] =	vst v1  }
0x16e: {  	v1 =	vld [tilespmem:s26+$0x70];
	[tilespmem:s25+$0x220] =	vst v4;
	v9 =	vmul.f32 $8.000000000e+00, v3  }
0x16f: {  	[tilespmem:s25+$0xFFFFFC20] =	vst v5;
	v3 =	vld [tilespmem:s26+$0xB0];
	v6 =	vmul.f32 $8.000000000e+00, v8  }
0x170: {  	s23 =	sor.u32 $0x1, s23;
	s24 =	simm.s32 $0x0;
	v4 =	vld [tilespmem:s26+$0xFFFFFF30];
	v5 =	vmul.f32 $8.000000000e+00, v7;
	s26 =	simm.s32 $0x6700;
	[tilespmem:s25+$0x330] =	vst v9  }
.LBB2_11:
0x171: {  	v7 =	vld [tilespmem:s26+$0xC0];
	s24 =	sadd.s32 $0x8, s24;
	[tilespmem:s25+$0xFFFFFD30] =	vst v6;
	v0 =	vmul.f32 $8.000000000e+00, v0  }
0x172: {  	v6 =	vld [tilespmem:s26+$0xFFFFFF40];
	p0 =	slt.u32 s24, $0x78;
	[tilespmem:s25+$0xFFFFFE30] =	vst v5;
	v2 =	vmul.f32 $8.000000000e+00, v2  }
0x173: {  	v5 =	vld [tilespmem:s26+$0xFFFFFF80];
	[tilespmem:s25+$0xFFFFFF30] =	vst v0;
	v0 =	vmul.f32 $8.000000000e+00, v1  }
0x174: {  	v1 =	vld [tilespmem:s26+$0xFFFFFFC0];
	[tilespmem:s25+$0x30] =	vst v2;
	v2 =	vmul.f32 $8.000000000e+00, v3  }
0x175: {  	v3 =	vld [tilespmem:s26+$0x0];
	v4 =	vmul.f32 $8.000000000e+00, v4;
	[tilespmem:s25+$0x130] =	vst v0  }
0x176: {  	v0 =	vld [tilespmem:s26+$0x40];
	v7 =	vmul.f32 $8.000000000e+00, v7;
	[tilespmem:s25+$0x230] =	vst v2  }
0x177: {  	v2 =	vmul.f32 $8.000000000e+00, v6;
	v6 =	vld [tilespmem:s26+$0x80];
	[tilespmem:s25+$0xFFFFFC30] =	vst v4;
	s25 =	sadd.s32 $0x800, s25  }
0x178: {  	v4 =	vld [tilespmem:s26+$0xFFFFFF00];
	v5 =	vmul.f32 $8.000000000e+00, v5;
	[tilespmem:s25+$0x300] =	vst v7  }
0x179: {  	[tilespmem:s25+$0xFFFFFD00] =	vst v2;
	v1 =	vmul.f32 $8.000000000e+00, v1;
	v2 =	vld [tilespmem:s26+$0xD0]  }
0x17a: {  	v7 =	vld [tilespmem:s26+$0xFFFFFF50];
	[tilespmem:s25+$0xFFFFFE00] =	vst v5;
	v3 =	vmul.f32 $8.000000000e+00, v3  }
0x17b: {  	v5 =	vld [tilespmem:s26+$0xFFFFFF90];
	[tilespmem:s25+$0xFFFFFF00] =	vst v1;
	v0 =	vmul.f32 $8.000000000e+00, v0  }
0x17c: {  	v1 =	vld [tilespmem:s26+$0xFFFFFFD0];
	[tilespmem:s25+$0x0] =	vst v3;
	v3 =	vmul.f32 $8.000000000e+00, v6  }
0x17d: {  	v4 =	vmul.f32 $8.000000000e+00, v4;
	v6 =	vld [tilespmem:s26+$0x10];
	[tilespmem:s25+$0x100] =	vst v0  }
0x17e: {  	v0 =	vld [tilespmem:s26+$0x50];
	[tilespmem:s25+$0x200] =	vst v3;
	v2 =	vmul.f32 $8.000000000e+00, v2  }
0x17f: {  	[tilespmem:s25+$0xFFFFFC00] =	vst v4;
	v3 =	vmul.f32 $8.000000000e+00, v7;
	v4 =	vld [tilespmem:s26+$0x90]  }
0x180: {  	v7 =	vld [tilespmem:s26+$0xFFFFFF10];
	v5 =	vmul.f32 $8.000000000e+00, v5;
	[tilespmem:s25+$0x310] =	vst v2  }
0x181: {  	[tilespmem:s25+$0xFFFFFD10] =	vst v3;
	v1 =	vmul.f32 $8.000000000e+00, v1;
	v2 =	vld [tilespmem:s26+$0xE0]  }
0x182: {  	v3 =	vld [tilespmem:s26+$0xFFFFFF60];
	[tilespmem:s25+$0xFFFFFE10] =	vst v5;
	v5 =	vmul.f32 $8.000000000e+00, v6  }
0x183: {  	v6 =	vld [tilespmem:s26+$0xFFFFFFA0];
	[tilespmem:s25+$0xFFFFFF10] =	vst v1;
	v0 =	vmul.f32 $8.000000000e+00, v0  }
0x184: {  	v1 =	vld [tilespmem:s26+$0xFFFFFFE0];
	[tilespmem:s25+$0x10] =	vst v5;
	v4 =	vmul.f32 $8.000000000e+00, v4  }
0x185: {  	v5 =	vmul.f32 $8.000000000e+00, v7;
	v7 =	vld [tilespmem:s26+$0x20];
	[tilespmem:s25+$0x110] =	vst v0  }
0x186: {  	v0 =	vld [tilespmem:s26+$0x60];
	[tilespmem:s25+$0x210] =	vst v4;
	v2 =	vmul.f32 $8.000000000e+00, v2  }
0x187: {  	[tilespmem:s25+$0xFFFFFC10] =	vst v5;
	v3 =	vmul.f32 $8.000000000e+00, v3;
	v4 =	vld [tilespmem:s26+$0xA0]  }
0x188: {  	v5 =	vld [tilespmem:s26+$0xFFFFFF20];
	v6 =	vmul.f32 $8.000000000e+00, v6;
	[tilespmem:s25+$0x320] =	vst v2  }
0x189: {  	[tilespmem:s25+$0xFFFFFD20] =	vst v3;
	v1 =	vmul.f32 $8.000000000e+00, v1;
	v3 =	vld [tilespmem:s26+$0xF0]  }
0x18a: {  	v8 =	vld [tilespmem:s26+$0xFFFFFF70];
	[tilespmem:s25+$0xFFFFFE20] =	vst v6;
	v2 =	vmul.f32 $8.000000000e+00, v7  }
0x18b: {  	v7 =	vld [tilespmem:s26+$0xFFFFFFB0];
	[tilespmem:s25+$0xFFFFFF20] =	vst v1;
	v1 =	vmul.f32 $8.000000000e+00, v0  }
.Ltmp4:
0x18c: {  	v0 =	vld [tilespmem:s26+$0xFFFFFFF0];
	[tilespmem:s25+$0x20] =	vst v2;
	v4 =	vmul.f32 $8.000000000e+00, v4;
	(pc) =	sbr.rel @p0 .LBB2_11-.Ltmp4, $4  }
0x18d: {  	v5 =	vmul.f32 $8.000000000e+00, v5;
	v2 =	vld [tilespmem:s26+$0x30];
	[tilespmem:s25+$0x120] =	vst v1  }
0x18e: {  	v1 =	vld [tilespmem:s26+$0x70];
	[tilespmem:s25+$0x220] =	vst v4;
	v9 =	vmul.f32 $8.000000000e+00, v3  }
0x18f: {  	[tilespmem:s25+$0xFFFFFC20] =	vst v5;
	v6 =	vmul.f32 $8.000000000e+00, v8;
	v3 =	vld [tilespmem:s26+$0xB0]  }
0x190: {  	v4 =	vld [tilespmem:s26+$0xFFFFFF30];
	v5 =	vmul.f32 $8.000000000e+00, v7;
	[tilespmem:s25+$0x330] =	vst v9;
	s26 =	sadd.s32 $0x200, s26  }
0x191: {  	[tilespmem:s25+$0xFFFFFD30] =	vst v6;
	v0 =	vmul.f32 $8.000000000e+00, v0  }
0x192: {  	[tilespmem:s25+$0xFFFFFE30] =	vst v5;
	v2 =	vmul.f32 $8.000000000e+00, v2  }
0x193: {  	[tilespmem:s25+$0xFFFFFF30] =	vst v0;
	v0 =	vmul.f32 $8.000000000e+00, v1  }
0x194: {  	[tilespmem:s25+$0x30] =	vst v2;
	v1 =	vmul.f32 $8.000000000e+00, v3  }
0x195: {  	s24 =	sshll.u32 s23, $0x9;
	v2 =	vmul.f32 $8.000000000e+00, v4;
	[tilespmem:s25+$0x130] =	vst v0  }
0x196: {  	s24 =	sand.u32 $0x3FFFFE00, s24;
	[tilespmem:s25+$0x230] =	vst v1  }
0x197: {  	s31 =	sor.u32 $0x100, s24;
	[tilespmem:s25+$0xFFFFFC30] =	vst v2  }
0x198: {  	[tilespmem:s11], [sflag:$0x1] =	stream.indirect.gather [hbm4b:s4+s8], $0x40, s31, s8, $0xb8;
	[tilespmem:$0x1A400] =	vst v63  }
0x199: {  	_ =	swait.ge [sflag:s14], $0x2000  }
0x19a: {  	[sflag:s14] =	ssyncset.done $0x0  }
0x19b: {  	s28 =	simm.s32 $0x8500;
	[sflag:s14] =	ssyncadd.s32 $0xFFFFE000  }
0x19c: {  	v0 =	vld [tilespmem:s28+$0xC0]  }
0x19d: {  	v1 =	vld [tilespmem:s28+$0xFFFFFF40]  }
0x19e: {  	v2 =	vld [tilespmem:s28+$0xFFFFFF80]  }
0x19f: {  	v3 =	vld [tilespmem:s28+$0xFFFFFFC0]  }
0x1a0: {  	v4 =	vld [tilespmem:s28+$0x0]  }
0x1a1: {  	v5 =	vld [tilespmem:s28+$0x40];
	v0 =	vmul.f32 $8.000000000e+00, v0  }
0x1a2: {  	s25 =	simm.s32 $0x12840;
	v6 =	vld [tilespmem:s28+$0x80];
	v1 =	vmul.f32 $8.000000000e+00, v1  }
0x1a3: {  	v7 =	vld [tilespmem:s28+$0xFFFFFF00];
	v2 =	vmul.f32 $8.000000000e+00, v2;
	[tilespmem:s25+$0x300] =	vst v0  }
0x1a4: {  	[tilespmem:s25+$0xFFFFFD00] =	vst v1;
	v0 =	vmul.f32 $8.000000000e+00, v3;
	v1 =	vld [tilespmem:s28+$0xD0]  }
0x1a5: {  	[tilespmem:s25+$0xFFFFFE00] =	vst v2;
	v2 =	vmul.f32 $8.000000000e+00, v4;
	v3 =	vld [tilespmem:s28+$0xFFFFFF50]  }
0x1a6: {  	v4 =	vld [tilespmem:s28+$0xFFFFFF90];
	[tilespmem:s25+$0xFFFFFF00] =	vst v0;
	v0 =	vmul.f32 $8.000000000e+00, v5  }
0x1a7: {  	[tilespmem:s25+$0x0] =	vst v2;
	v2 =	vmul.f32 $8.000000000e+00, v6;
	v5 =	vld [tilespmem:s28+$0xFFFFFFD0]  }
0x1a8: {  	v6 =	vmul.f32 $8.000000000e+00, v7;
	v7 =	vld [tilespmem:s28+$0x10];
	[tilespmem:s25+$0x100] =	vst v0  }
0x1a9: {  	[tilespmem:s25+$0x200] =	vst v2;
	v0 =	vld [tilespmem:s28+$0x50];
	v1 =	vmul.f32 $8.000000000e+00, v1  }
0x1aa: {  	[tilespmem:s25+$0xFFFFFC00] =	vst v6;
	v2 =	vmul.f32 $8.000000000e+00, v3;
	v3 =	vld [tilespmem:s28+$0x90]  }
0x1ab: {  	v6 =	vld [tilespmem:s28+$0xFFFFFF10];
	v4 =	vmul.f32 $8.000000000e+00, v4;
	[tilespmem:s25+$0x310] =	vst v1  }
0x1ac: {  	[tilespmem:s25+$0xFFFFFD10] =	vst v2;
	v1 =	vmul.f32 $8.000000000e+00, v5;
	v2 =	vld [tilespmem:s28+$0xE0]  }
0x1ad: {  	[tilespmem:s25+$0xFFFFFE10] =	vst v4;
	v4 =	vmul.f32 $8.000000000e+00, v7;
	v5 =	vld [tilespmem:s28+$0xFFFFFF60]  }
0x1ae: {  	v7 =	vld [tilespmem:s28+$0xFFFFFFA0];
	[tilespmem:s25+$0xFFFFFF10] =	vst v1;
	v0 =	vmul.f32 $8.000000000e+00, v0  }
0x1af: {  	[tilespmem:s25+$0x10] =	vst v4;
	v1 =	vld [tilespmem:s28+$0xFFFFFFE0];
	v3 =	vmul.f32 $8.000000000e+00, v3  }
0x1b0: {  	v4 =	vmul.f32 $8.000000000e+00, v6;
	v6 =	vld [tilespmem:s28+$0x20];
	[tilespmem:s25+$0x110] =	vst v0  }
0x1b1: {  	v0 =	vld [tilespmem:s28+$0x60];
	[tilespmem:s25+$0x210] =	vst v3;
	v2 =	vmul.f32 $8.000000000e+00, v2  }
0x1b2: {  	[tilespmem:s25+$0xFFFFFC10] =	vst v4;
	v3 =	vmul.f32 $8.000000000e+00, v5;
	v4 =	vld [tilespmem:s28+$0xA0]  }
0x1b3: {  	v5 =	vld [tilespmem:s28+$0xFFFFFF20];
	v7 =	vmul.f32 $8.000000000e+00, v7;
	[tilespmem:s25+$0x320] =	vst v2  }
0x1b4: {  	[tilespmem:s25+$0xFFFFFD20] =	vst v3;
	v1 =	vmul.f32 $8.000000000e+00, v1;
	v3 =	vld [tilespmem:s28+$0xF0]  }
0x1b5: {  	[tilespmem:s25+$0xFFFFFE20] =	vst v7;
	v2 =	vmul.f32 $8.000000000e+00, v6;
	v8 =	vld [tilespmem:s28+$0xFFFFFF70]  }
0x1b6: {  	v7 =	vld [tilespmem:s28+$0xFFFFFFB0];
	[tilespmem:s25+$0xFFFFFF20] =	vst v1;
	v1 =	vmul.f32 $8.000000000e+00, v0  }
0x1b7: {  	[tilespmem:s25+$0x20] =	vst v2;
	v0 =	vld [tilespmem:s28+$0xFFFFFFF0];
	v4 =	vmul.f32 $8.000000000e+00, v4  }
0x1b8: {  	v5 =	vmul.f32 $8.000000000e+00, v5;
	v2 =	vld [tilespmem:s28+$0x30];
	[tilespmem:s25+$0x120] =	vst v1  }
0x1b9: {  	v1 =	vld [tilespmem:s28+$0x70];
	[tilespmem:s25+$0x220] =	vst v4;
	v9 =	vmul.f32 $8.000000000e+00, v3  }
0x1ba: {  	[tilespmem:s25+$0xFFFFFC20] =	vst v5;
	v3 =	vld [tilespmem:s28+$0xB0];
	v6 =	vmul.f32 $8.000000000e+00, v8  }
0x1bb: {  	s26 =	simm.s32 $0x0;
	v4 =	vld [tilespmem:s28+$0xFFFFFF30];
	v5 =	vmul.f32 $8.000000000e+00, v7;
	s28 =	simm.s32 $0x8700;
	[tilespmem:s25+$0x330] =	vst v9  }
.LBB2_13:
0x1bc: {  	v7 =	vld [tilespmem:s28+$0xC0];
	s26 =	sadd.s32 $0x8, s26;
	[tilespmem:s25+$0xFFFFFD30] =	vst v6;
	v0 =	vmul.f32 $8.000000000e+00, v0  }
0x1bd: {  	v6 =	vld [tilespmem:s28+$0xFFFFFF40];
	p0 =	slt.u32 s26, $0x78;
	[tilespmem:s25+$0xFFFFFE30] =	vst v5;
	v2 =	vmul.f32 $8.000000000e+00, v2  }
0x1be: {  	v5 =	vld [tilespmem:s28+$0xFFFFFF80];
	[tilespmem:s25+$0xFFFFFF30] =	vst v0;
	v0 =	vmul.f32 $8.000000000e+00, v1  }
0x1bf: {  	v1 =	vld [tilespmem:s28+$0xFFFFFFC0];
	[tilespmem:s25+$0x30] =	vst v2;
	v2 =	vmul.f32 $8.000000000e+00, v3  }
0x1c0: {  	v3 =	vld [tilespmem:s28+$0x0];
	v4 =	vmul.f32 $8.000000000e+00, v4;
	[tilespmem:s25+$0x130] =	vst v0  }
0x1c1: {  	v0 =	vld [tilespmem:s28+$0x40];
	v7 =	vmul.f32 $8.000000000e+00, v7;
	[tilespmem:s25+$0x230] =	vst v2  }
0x1c2: {  	v2 =	vmul.f32 $8.000000000e+00, v6;
	v6 =	vld [tilespmem:s28+$0x80];
	[tilespmem:s25+$0xFFFFFC30] =	vst v4;
	s25 =	sadd.s32 $0x800, s25  }
0x1c3: {  	v4 =	vld [tilespmem:s28+$0xFFFFFF00];
	v5 =	vmul.f32 $8.000000000e+00, v5;
	[tilespmem:s25+$0x300] =	vst v7  }
0x1c4: {  	[tilespmem:s25+$0xFFFFFD00] =	vst v2;
	v1 =	vmul.f32 $8.000000000e+00, v1;
	v2 =	vld [tilespmem:s28+$0xD0]  }
0x1c5: {  	v7 =	vld [tilespmem:s28+$0xFFFFFF50];
	[tilespmem:s25+$0xFFFFFE00] =	vst v5;
	v3 =	vmul.f32 $8.000000000e+00, v3  }
0x1c6: {  	v5 =	vld [tilespmem:s28+$0xFFFFFF90];
	[tilespmem:s25+$0xFFFFFF00] =	vst v1;
	v0 =	vmul.f32 $8.000000000e+00, v0  }
0x1c7: {  	v1 =	vld [tilespmem:s28+$0xFFFFFFD0];
	[tilespmem:s25+$0x0] =	vst v3;
	v3 =	vmul.f32 $8.000000000e+00, v6  }
0x1c8: {  	v4 =	vmul.f32 $8.000000000e+00, v4;
	v6 =	vld [tilespmem:s28+$0x10];
	[tilespmem:s25+$0x100] =	vst v0  }
0x1c9: {  	v0 =	vld [tilespmem:s28+$0x50];
	[tilespmem:s25+$0x200] =	vst v3;
	v2 =	vmul.f32 $8.000000000e+00, v2  }
0x1ca: {  	[tilespmem:s25+$0xFFFFFC00] =	vst v4;
	v3 =	vmul.f32 $8.000000000e+00, v7;
	v4 =	vld [tilespmem:s28+$0x90]  }
0x1cb: {  	v7 =	vld [tilespmem:s28+$0xFFFFFF10];
	v5 =	vmul.f32 $8.000000000e+00, v5;
	[tilespmem:s25+$0x310] =	vst v2  }
0x1cc: {  	[tilespmem:s25+$0xFFFFFD10] =	vst v3;
	v1 =	vmul.f32 $8.000000000e+00, v1;
	v2 =	vld [tilespmem:s28+$0xE0]  }
0x1cd: {  	v3 =	vld [tilespmem:s28+$0xFFFFFF60];
	[tilespmem:s25+$0xFFFFFE10] =	vst v5;
	v5 =	vmul.f32 $8.000000000e+00, v6  }
0x1ce: {  	v6 =	vld [tilespmem:s28+$0xFFFFFFA0];
	[tilespmem:s25+$0xFFFFFF10] =	vst v1;
	v0 =	vmul.f32 $8.000000000e+00, v0  }
0x1cf: {  	v1 =	vld [tilespmem:s28+$0xFFFFFFE0];
	[tilespmem:s25+$0x10] =	vst v5;
	v4 =	vmul.f32 $8.000000000e+00, v4  }
0x1d0: {  	v5 =	vmul.f32 $8.000000000e+00, v7;
	v7 =	vld [tilespmem:s28+$0x20];
	[tilespmem:s25+$0x110] =	vst v0  }
0x1d1: {  	v0 =	vld [tilespmem:s28+$0x60];
	[tilespmem:s25+$0x210] =	vst v4;
	v2 =	vmul.f32 $8.000000000e+00, v2  }
0x1d2: {  	[tilespmem:s25+$0xFFFFFC10] =	vst v5;
	v3 =	vmul.f32 $8.000000000e+00, v3;
	v4 =	vld [tilespmem:s28+$0xA0]  }
0x1d3: {  	v5 =	vld [tilespmem:s28+$0xFFFFFF20];
	v6 =	vmul.f32 $8.000000000e+00, v6;
	[tilespmem:s25+$0x320] =	vst v2  }
0x1d4: {  	[tilespmem:s25+$0xFFFFFD20] =	vst v3;
	v1 =	vmul.f32 $8.000000000e+00, v1;
	v3 =	vld [tilespmem:s28+$0xF0]  }
0x1d5: {  	v8 =	vld [tilespmem:s28+$0xFFFFFF70];
	[tilespmem:s25+$0xFFFFFE20] =	vst v6;
	v2 =	vmul.f32 $8.000000000e+00, v7  }
0x1d6: {  	v7 =	vld [tilespmem:s28+$0xFFFFFFB0];
	[tilespmem:s25+$0xFFFFFF20] =	vst v1;
	v1 =	vmul.f32 $8.000000000e+00, v0  }
.Ltmp5:
0x1d7: {  	v0 =	vld [tilespmem:s28+$0xFFFFFFF0];
	[tilespmem:s25+$0x20] =	vst v2;
	v4 =	vmul.f32 $8.000000000e+00, v4;
	(pc) =	sbr.rel @p0 .LBB2_13-.Ltmp5, $4  }
0x1d8: {  	v5 =	vmul.f32 $8.000000000e+00, v5;
	v2 =	vld [tilespmem:s28+$0x30];
	[tilespmem:s25+$0x120] =	vst v1  }
0x1d9: {  	v1 =	vld [tilespmem:s28+$0x70];
	[tilespmem:s25+$0x220] =	vst v4;
	v9 =	vmul.f32 $8.000000000e+00, v3  }
0x1da: {  	[tilespmem:s25+$0xFFFFFC20] =	vst v5;
	v6 =	vmul.f32 $8.000000000e+00, v8;
	v3 =	vld [tilespmem:s28+$0xB0]  }
0x1db: {  	v4 =	vld [tilespmem:s28+$0xFFFFFF30];
	v5 =	vmul.f32 $8.000000000e+00, v7;
	[tilespmem:s25+$0x330] =	vst v9;
	s28 =	sadd.s32 $0x200, s28  }
0x1dc: {  	[tilespmem:s25+$0xFFFFFD30] =	vst v6;
	v0 =	vmul.f32 $8.000000000e+00, v0  }
0x1dd: {  	[tilespmem:s25+$0xFFFFFE30] =	vst v5;
	v2 =	vmul.f32 $8.000000000e+00, v2  }
0x1de: {  	[tilespmem:s25+$0xFFFFFF30] =	vst v0;
	v0 =	vmul.f32 $8.000000000e+00, v1  }
0x1df: {  	[tilespmem:s25+$0x30] =	vst v2;
	v1 =	vmul.f32 $8.000000000e+00, v3  }
0x1e0: {  	v2 =	vmul.f32 $8.000000000e+00, v4;
	[tilespmem:s25+$0x130] =	vst v0  }
0x1e1: {  	[tilespmem:s25+$0x230] =	vst v1  }
0x1e2: {  	s31 =	sadd.s32 $0x180, s24;
	[tilespmem:s25+$0xFFFFFC30] =	vst v2  }
0x1e3: {  	[tilespmem:s12], [sflag:$0x2] =	stream.indirect.gather [hbm4b:s4+s8], $0x40, s31, s8, $0xb8;
	[tilespmem:$0x1A400] =	vst v63  }
0x1e4: {  	_ =	swait.ge [sflag:s13], $0x2000  }
0x1e5: {  	[sflag:s13] =	ssyncset.done $0x0  }
0x1e6: {  	s28 =	simm.s32 $0x6500;
	[sflag:s13] =	ssyncadd.s32 $0xFFFFE000  }
0x1e7: {  	v0 =	vld [tilespmem:s28+$0xC0]  }
0x1e8: {  	v1 =	vld [tilespmem:s28+$0xFFFFFF40]  }
0x1e9: {  	v2 =	vld [tilespmem:s28+$0xFFFFFF80]  }
0x1ea: {  	v3 =	vld [tilespmem:s28+$0xFFFFFFC0]  }
0x1eb: {  	v4 =	vld [tilespmem:s28+$0x0]  }
0x1ec: {  	v5 =	vld [tilespmem:s28+$0x40];
	v0 =	vmul.f32 $8.000000000e+00, v0  }
0x1ed: {  	s25 =	simm.s32 $0x12880;
	v6 =	vld [tilespmem:s28+$0x80];
	v1 =	vmul.f32 $8.000000000e+00, v1  }
0x1ee: {  	v7 =	vld [tilespmem:s28+$0xFFFFFF00];
	v2 =	vmul.f32 $8.000000000e+00, v2;
	[tilespmem:s25+$0x300] =	vst v0  }
0x1ef: {  	[tilespmem:s25+$0xFFFFFD00] =	vst v1;
	v0 =	vmul.f32 $8.000000000e+00, v3;
	v1 =	vld [tilespmem:s28+$0xD0]  }
0x1f0: {  	[tilespmem:s25+$0xFFFFFE00] =	vst v2;
	v2 =	vmul.f32 $8.000000000e+00, v4;
	v3 =	vld [tilespmem:s28+$0xFFFFFF50]  }
0x1f1: {  	v4 =	vld [tilespmem:s28+$0xFFFFFF90];
	[tilespmem:s25+$0xFFFFFF00] =	vst v0;
	v0 =	vmul.f32 $8.000000000e+00, v5  }
0x1f2: {  	[tilespmem:s25+$0x0] =	vst v2;
	v2 =	vmul.f32 $8.000000000e+00, v6;
	v5 =	vld [tilespmem:s28+$0xFFFFFFD0]  }
0x1f3: {  	v6 =	vmul.f32 $8.000000000e+00, v7;
	v7 =	vld [tilespmem:s28+$0x10];
	[tilespmem:s25+$0x100] =	vst v0  }
0x1f4: {  	[tilespmem:s25+$0x200] =	vst v2;
	v0 =	vld [tilespmem:s28+$0x50];
	v1 =	vmul.f32 $8.000000000e+00, v1  }
0x1f5: {  	[tilespmem:s25+$0xFFFFFC00] =	vst v6;
	v2 =	vmul.f32 $8.000000000e+00, v3;
	v3 =	vld [tilespmem:s28+$0x90]  }
0x1f6: {  	v6 =	vld [tilespmem:s28+$0xFFFFFF10];
	v4 =	vmul.f32 $8.000000000e+00, v4;
	[tilespmem:s25+$0x310] =	vst v1  }
0x1f7: {  	[tilespmem:s25+$0xFFFFFD10] =	vst v2;
	v1 =	vmul.f32 $8.000000000e+00, v5;
	v2 =	vld [tilespmem:s28+$0xE0]  }
0x1f8: {  	[tilespmem:s25+$0xFFFFFE10] =	vst v4;
	v4 =	vmul.f32 $8.000000000e+00, v7;
	v5 =	vld [tilespmem:s28+$0xFFFFFF60]  }
0x1f9: {  	v7 =	vld [tilespmem:s28+$0xFFFFFFA0];
	[tilespmem:s25+$0xFFFFFF10] =	vst v1;
	v0 =	vmul.f32 $8.000000000e+00, v0  }
0x1fa: {  	[tilespmem:s25+$0x10] =	vst v4;
	v1 =	vld [tilespmem:s28+$0xFFFFFFE0];
	v3 =	vmul.f32 $8.000000000e+00, v3  }
0x1fb: {  	v4 =	vmul.f32 $8.000000000e+00, v6;
	v6 =	vld [tilespmem:s28+$0x20];
	[tilespmem:s25+$0x110] =	vst v0  }
0x1fc: {  	v0 =	vld [tilespmem:s28+$0x60];
	[tilespmem:s25+$0x210] =	vst v3;
	v2 =	vmul.f32 $8.000000000e+00, v2  }
0x1fd: {  	[tilespmem:s25+$0xFFFFFC10] =	vst v4;
	v3 =	vmul.f32 $8.000000000e+00, v5;
	v4 =	vld [tilespmem:s28+$0xA0]  }
0x1fe: {  	v5 =	vld [tilespmem:s28+$0xFFFFFF20];
	v7 =	vmul.f32 $8.000000000e+00, v7;
	[tilespmem:s25+$0x320] =	vst v2  }
0x1ff: {  	[tilespmem:s25+$0xFFFFFD20] =	vst v3;
	v1 =	vmul.f32 $8.000000000e+00, v1;
	v3 =	vld [tilespmem:s28+$0xF0]  }
0x200: {  	[tilespmem:s25+$0xFFFFFE20] =	vst v7;
	v2 =	vmul.f32 $8.000000000e+00, v6;
	v8 =	vld [tilespmem:s28+$0xFFFFFF70]  }
0x201: {  	v7 =	vld [tilespmem:s28+$0xFFFFFFB0];
	[tilespmem:s25+$0xFFFFFF20] =	vst v1;
	v1 =	vmul.f32 $8.000000000e+00, v0  }
0x202: {  	[tilespmem:s25+$0x20] =	vst v2;
	v0 =	vld [tilespmem:s28+$0xFFFFFFF0];
	v4 =	vmul.f32 $8.000000000e+00, v4  }
0x203: {  	v5 =	vmul.f32 $8.000000000e+00, v5;
	v2 =	vld [tilespmem:s28+$0x30];
	[tilespmem:s25+$0x120] =	vst v1  }
0x204: {  	v1 =	vld [tilespmem:s28+$0x70];
	[tilespmem:s25+$0x220] =	vst v4;
	v9 =	vmul.f32 $8.000000000e+00, v3  }
0x205: {  	[tilespmem:s25+$0xFFFFFC20] =	vst v5;
	v3 =	vld [tilespmem:s28+$0xB0];
	v6 =	vmul.f32 $8.000000000e+00, v8  }
0x206: {  	s26 =	simm.s32 $0x0;
	v4 =	vld [tilespmem:s28+$0xFFFFFF30];
	v5 =	vmul.f32 $8.000000000e+00, v7;
	s28 =	simm.s32 $0x6700;
	[tilespmem:s25+$0x330] =	vst v9  }
.LBB2_15:
0x207: {  	v7 =	vld [tilespmem:s28+$0xC0];
	s26 =	sadd.s32 $0x8, s26;
	[tilespmem:s25+$0xFFFFFD30] =	vst v6;
	v0 =	vmul.f32 $8.000000000e+00, v0  }
0x208: {  	v6 =	vld [tilespmem:s28+$0xFFFFFF40];
	p0 =	slt.u32 s26, $0x78;
	[tilespmem:s25+$0xFFFFFE30] =	vst v5;
	v2 =	vmul.f32 $8.000000000e+00, v2  }
0x209: {  	v5 =	vld [tilespmem:s28+$0xFFFFFF80];
	[tilespmem:s25+$0xFFFFFF30] =	vst v0;
	v0 =	vmul.f32 $8.000000000e+00, v1  }
0x20a: {  	v1 =	vld [tilespmem:s28+$0xFFFFFFC0];
	[tilespmem:s25+$0x30] =	vst v2;
	v2 =	vmul.f32 $8.000000000e+00, v3  }
0x20b: {  	v3 =	vld [tilespmem:s28+$0x0];
	v4 =	vmul.f32 $8.000000000e+00, v4;
	[tilespmem:s25+$0x130] =	vst v0  }
0x20c: {  	v0 =	vld [tilespmem:s28+$0x40];
	v7 =	vmul.f32 $8.000000000e+00, v7;
	[tilespmem:s25+$0x230] =	vst v2  }
0x20d: {  	v2 =	vmul.f32 $8.000000000e+00, v6;
	v6 =	vld [tilespmem:s28+$0x80];
	[tilespmem:s25+$0xFFFFFC30] =	vst v4;
	s25 =	sadd.s32 $0x800, s25  }
0x20e: {  	v4 =	vld [tilespmem:s28+$0xFFFFFF00];
	v5 =	vmul.f32 $8.000000000e+00, v5;
	[tilespmem:s25+$0x300] =	vst v7  }
0x20f: {  	[tilespmem:s25+$0xFFFFFD00] =	vst v2;
	v1 =	vmul.f32 $8.000000000e+00, v1;
	v2 =	vld [tilespmem:s28+$0xD0]  }
0x210: {  	v7 =	vld [tilespmem:s28+$0xFFFFFF50];
	[tilespmem:s25+$0xFFFFFE00] =	vst v5;
	v3 =	vmul.f32 $8.000000000e+00, v3  }
0x211: {  	v5 =	vld [tilespmem:s28+$0xFFFFFF90];
	[tilespmem:s25+$0xFFFFFF00] =	vst v1;
	v0 =	vmul.f32 $8.000000000e+00, v0  }
0x212: {  	v1 =	vld [tilespmem:s28+$0xFFFFFFD0];
	[tilespmem:s25+$0x0] =	vst v3;
	v3 =	vmul.f32 $8.000000000e+00, v6  }
0x213: {  	v4 =	vmul.f32 $8.000000000e+00, v4;
	v6 =	vld [tilespmem:s28+$0x10];
	[tilespmem:s25+$0x100] =	vst v0  }
0x214: {  	v0 =	vld [tilespmem:s28+$0x50];
	[tilespmem:s25+$0x200] =	vst v3;
	v2 =	vmul.f32 $8.000000000e+00, v2  }
0x215: {  	[tilespmem:s25+$0xFFFFFC00] =	vst v4;
	v3 =	vmul.f32 $8.000000000e+00, v7;
	v4 =	vld [tilespmem:s28+$0x90]  }
0x216: {  	v7 =	vld [tilespmem:s28+$0xFFFFFF10];
	v5 =	vmul.f32 $8.000000000e+00, v5;
	[tilespmem:s25+$0x310] =	vst v2  }
0x217: {  	[tilespmem:s25+$0xFFFFFD10] =	vst v3;
	v1 =	vmul.f32 $8.000000000e+00, v1;
	v2 =	vld [tilespmem:s28+$0xE0]  }
0x218: {  	v3 =	vld [tilespmem:s28+$0xFFFFFF60];
	[tilespmem:s25+$0xFFFFFE10] =	vst v5;
	v5 =	vmul.f32 $8.000000000e+00, v6  }
0x219: {  	v6 =	vld [tilespmem:s28+$0xFFFFFFA0];
	[tilespmem:s25+$0xFFFFFF10] =	vst v1;
	v0 =	vmul.f32 $8.000000000e+00, v0  }
0x21a: {  	v1 =	vld [tilespmem:s28+$0xFFFFFFE0];
	[tilespmem:s25+$0x10] =	vst v5;
	v4 =	vmul.f32 $8.000000000e+00, v4  }
0x21b: {  	v5 =	vmul.f32 $8.000000000e+00, v7;
	v7 =	vld [tilespmem:s28+$0x20];
	[tilespmem:s25+$0x110] =	vst v0  }
0x21c: {  	v0 =	vld [tilespmem:s28+$0x60];
	[tilespmem:s25+$0x210] =	vst v4;
	v2 =	vmul.f32 $8.000000000e+00, v2  }
0x21d: {  	[tilespmem:s25+$0xFFFFFC10] =	vst v5;
	v3 =	vmul.f32 $8.000000000e+00, v3;
	v4 =	vld [tilespmem:s28+$0xA0]  }
0x21e: {  	v5 =	vld [tilespmem:s28+$0xFFFFFF20];
	v6 =	vmul.f32 $8.000000000e+00, v6;
	[tilespmem:s25+$0x320] =	vst v2  }
0x21f: {  	[tilespmem:s25+$0xFFFFFD20] =	vst v3;
	v1 =	vmul.f32 $8.000000000e+00, v1;
	v3 =	vld [tilespmem:s28+$0xF0]  }
0x220: {  	v8 =	vld [tilespmem:s28+$0xFFFFFF70];
	[tilespmem:s25+$0xFFFFFE20] =	vst v6;
	v2 =	vmul.f32 $8.000000000e+00, v7  }
0x221: {  	v7 =	vld [tilespmem:s28+$0xFFFFFFB0];
	[tilespmem:s25+$0xFFFFFF20] =	vst v1;
	v1 =	vmul.f32 $8.000000000e+00, v0  }
.Ltmp6:
0x222: {  	v0 =	vld [tilespmem:s28+$0xFFFFFFF0];
	[tilespmem:s25+$0x20] =	vst v2;
	v4 =	vmul.f32 $8.000000000e+00, v4;
	(pc) =	sbr.rel @p0 .LBB2_15-.Ltmp6, $4  }
0x223: {  	v5 =	vmul.f32 $8.000000000e+00, v5;
	v2 =	vld [tilespmem:s28+$0x30];
	[tilespmem:s25+$0x120] =	vst v1  }
0x224: {  	v1 =	vld [tilespmem:s28+$0x70];
	[tilespmem:s25+$0x220] =	vst v4;
	v9 =	vmul.f32 $8.000000000e+00, v3  }
0x225: {  	[tilespmem:s25+$0xFFFFFC20] =	vst v5;
	v6 =	vmul.f32 $8.000000000e+00, v8;
	v3 =	vld [tilespmem:s28+$0xB0]  }
0x226: {  	v4 =	vld [tilespmem:s28+$0xFFFFFF30];
	v5 =	vmul.f32 $8.000000000e+00, v7;
	[tilespmem:s25+$0x330] =	vst v9;
	s28 =	sadd.s32 $0x200, s28  }
0x227: {  	[tilespmem:s25+$0xFFFFFD30] =	vst v6;
	v0 =	vmul.f32 $8.000000000e+00, v0  }
0x228: {  	[tilespmem:s25+$0xFFFFFE30] =	vst v5;
	v2 =	vmul.f32 $8.000000000e+00, v2  }
0x229: {  	[tilespmem:s25+$0xFFFFFF30] =	vst v0;
	v0 =	vmul.f32 $8.000000000e+00, v1  }
0x22a: {  	[tilespmem:s25+$0x30] =	vst v2;
	v1 =	vmul.f32 $8.000000000e+00, v3  }
0x22b: {  	v2 =	vmul.f32 $8.000000000e+00, v4;
	[tilespmem:s25+$0x130] =	vst v0  }
0x22c: {  	p0 =	sgt.u32 s23, $0x30;
	[tilespmem:s25+$0x230] =	vst v1  }
0x22d: {  	s26 =	simm.s32 @!p0 $0x80;
	s28 =	simm.s32 @!p0 $0x6400;
	[tilespmem:s25+$0xFFFFFC30] =	vst v2;
	s25 =	sadd.s32 @!p0 $0x200, s24  }
0x22e: {  	[tilespmem:s28], [sflag:$0x1] =	stream.indirect.gather @!p0 [hbm4b:s4+s26], $0x40, s25, s26, $0xb8;
	[tilespmem:$0x1A400] =	vst v63  }
0x22f: {  	_ =	swait.ge [sflag:s14], $0x2000  }
0x230: {  	[sflag:s14] =	ssyncset.done $0x0  }
0x231: {  	s28 =	simm.s32 $0x8500;
	[sflag:s14] =	ssyncadd.s32 $0xFFFFE000  }
0x232: {  	v0 =	vld [tilespmem:s28+$0xC0]  }
0x233: {  	v1 =	vld [tilespmem:s28+$0xFFFFFF40]  }
0x234: {  	v2 =	vld [tilespmem:s28+$0xFFFFFF80]  }
0x235: {  	v3 =	vld [tilespmem:s28+$0xFFFFFFC0]  }
0x236: {  	v4 =	vld [tilespmem:s28+$0x0]  }
0x237: {  	v5 =	vld [tilespmem:s28+$0x40];
	v0 =	vmul.f32 $8.000000000e+00, v0  }
0x238: {  	s25 =	simm.s32 $0x128C0;
	v6 =	vld [tilespmem:s28+$0x80];
	v1 =	vmul.f32 $8.000000000e+00, v1  }
0x239: {  	v7 =	vld [tilespmem:s28+$0xFFFFFF00];
	v2 =	vmul.f32 $8.000000000e+00, v2;
	[tilespmem:s25+$0x300] =	vst v0  }
0x23a: {  	[tilespmem:s25+$0xFFFFFD00] =	vst v1;
	v0 =	vmul.f32 $8.000000000e+00, v3;
	v1 =	vld [tilespmem:s28+$0xD0]  }
0x23b: {  	[tilespmem:s25+$0xFFFFFE00] =	vst v2;
	v2 =	vmul.f32 $8.000000000e+00, v4;
	v3 =	vld [tilespmem:s28+$0xFFFFFF50]  }
0x23c: {  	v4 =	vld [tilespmem:s28+$0xFFFFFF90];
	[tilespmem:s25+$0xFFFFFF00] =	vst v0;
	v0 =	vmul.f32 $8.000000000e+00, v5  }
0x23d: {  	[tilespmem:s25+$0x0] =	vst v2;
	v2 =	vmul.f32 $8.000000000e+00, v6;
	v5 =	vld [tilespmem:s28+$0xFFFFFFD0]  }
0x23e: {  	v6 =	vmul.f32 $8.000000000e+00, v7;
	v7 =	vld [tilespmem:s28+$0x10];
	[tilespmem:s25+$0x100] =	vst v0  }
0x23f: {  	[tilespmem:s25+$0x200] =	vst v2;
	v0 =	vld [tilespmem:s28+$0x50];
	v1 =	vmul.f32 $8.000000000e+00, v1  }
0x240: {  	[tilespmem:s25+$0xFFFFFC00] =	vst v6;
	v2 =	vmul.f32 $8.000000000e+00, v3;
	v3 =	vld [tilespmem:s28+$0x90]  }
0x241: {  	v6 =	vld [tilespmem:s28+$0xFFFFFF10];
	v4 =	vmul.f32 $8.000000000e+00, v4;
	[tilespmem:s25+$0x310] =	vst v1  }
0x242: {  	[tilespmem:s25+$0xFFFFFD10] =	vst v2;
	v1 =	vmul.f32 $8.000000000e+00, v5;
	v2 =	vld [tilespmem:s28+$0xE0]  }
0x243: {  	[tilespmem:s25+$0xFFFFFE10] =	vst v4;
	v4 =	vmul.f32 $8.000000000e+00, v7;
	v5 =	vld [tilespmem:s28+$0xFFFFFF60]  }
0x244: {  	v7 =	vld [tilespmem:s28+$0xFFFFFFA0];
	[tilespmem:s25+$0xFFFFFF10] =	vst v1;
	v0 =	vmul.f32 $8.000000000e+00, v0  }
0x245: {  	[tilespmem:s25+$0x10] =	vst v4;
	v1 =	vld [tilespmem:s28+$0xFFFFFFE0];
	v3 =	vmul.f32 $8.000000000e+00, v3  }
0x246: {  	v4 =	vmul.f32 $8.000000000e+00, v6;
	v6 =	vld [tilespmem:s28+$0x20];
	[tilespmem:s25+$0x110] =	vst v0  }
0x247: {  	v0 =	vld [tilespmem:s28+$0x60];
	[tilespmem:s25+$0x210] =	vst v3;
	v2 =	vmul.f32 $8.000000000e+00, v2  }
0x248: {  	[tilespmem:s25+$0xFFFFFC10] =	vst v4;
	v3 =	vmul.f32 $8.000000000e+00, v5;
	v4 =	vld [tilespmem:s28+$0xA0]  }
0x249: {  	v5 =	vld [tilespmem:s28+$0xFFFFFF20];
	v7 =	vmul.f32 $8.000000000e+00, v7;
	[tilespmem:s25+$0x320] =	vst v2  }
0x24a: {  	[tilespmem:s25+$0xFFFFFD20] =	vst v3;
	v1 =	vmul.f32 $8.000000000e+00, v1;
	v3 =	vld [tilespmem:s28+$0xF0]  }
0x24b: {  	[tilespmem:s25+$0xFFFFFE20] =	vst v7;
	v2 =	vmul.f32 $8.000000000e+00, v6;
	v8 =	vld [tilespmem:s28+$0xFFFFFF70]  }
0x24c: {  	v7 =	vld [tilespmem:s28+$0xFFFFFFB0];
	[tilespmem:s25+$0xFFFFFF20] =	vst v1;
	v1 =	vmul.f32 $8.000000000e+00, v0  }
0x24d: {  	[tilespmem:s25+$0x20] =	vst v2;
	v0 =	vld [tilespmem:s28+$0xFFFFFFF0];
	v4 =	vmul.f32 $8.000000000e+00, v4  }
0x24e: {  	v5 =	vmul.f32 $8.000000000e+00, v5;
	v2 =	vld [tilespmem:s28+$0x30];
	[tilespmem:s25+$0x120] =	vst v1  }
0x24f: {  	v1 =	vld [tilespmem:s28+$0x70];
	[tilespmem:s25+$0x220] =	vst v4;
	v9 =	vmul.f32 $8.000000000e+00, v3  }
0x250: {  	[tilespmem:s25+$0xFFFFFC20] =	vst v5;
	v3 =	vld [tilespmem:s28+$0xB0];
	v6 =	vmul.f32 $8.000000000e+00, v8  }
0x251: {  	s26 =	simm.s32 $0x0;
	v4 =	vld [tilespmem:s28+$0xFFFFFF30];
	v5 =	vmul.f32 $8.000000000e+00, v7;
	s28 =	simm.s32 $0x8700;
	[tilespmem:s25+$0x330] =	vst v9  }
.LBB2_17:
0x252: {  	v7 =	vld [tilespmem:s28+$0xC0];
	s26 =	sadd.s32 $0x8, s26;
	[tilespmem:s25+$0xFFFFFD30] =	vst v6;
	v0 =	vmul.f32 $8.000000000e+00, v0  }
0x253: {  	v6 =	vld [tilespmem:s28+$0xFFFFFF40];
	p1 =	slt.u32 s26, $0x78;
	[tilespmem:s25+$0xFFFFFE30] =	vst v5;
	v2 =	vmul.f32 $8.000000000e+00, v2  }
0x254: {  	v5 =	vld [tilespmem:s28+$0xFFFFFF80];
	[tilespmem:s25+$0xFFFFFF30] =	vst v0;
	v0 =	vmul.f32 $8.000000000e+00, v1  }
0x255: {  	v1 =	vld [tilespmem:s28+$0xFFFFFFC0];
	[tilespmem:s25+$0x30] =	vst v2;
	v2 =	vmul.f32 $8.000000000e+00, v3  }
0x256: {  	v3 =	vld [tilespmem:s28+$0x0];
	v4 =	vmul.f32 $8.000000000e+00, v4;
	[tilespmem:s25+$0x130] =	vst v0  }
0x257: {  	v0 =	vld [tilespmem:s28+$0x40];
	v7 =	vmul.f32 $8.000000000e+00, v7;
	[tilespmem:s25+$0x230] =	vst v2  }
0x258: {  	v2 =	vmul.f32 $8.000000000e+00, v6;
	v6 =	vld [tilespmem:s28+$0x80];
	[tilespmem:s25+$0xFFFFFC30] =	vst v4;
	s25 =	sadd.s32 $0x800, s25  }
0x259: {  	v4 =	vld [tilespmem:s28+$0xFFFFFF00];
	v5 =	vmul.f32 $8.000000000e+00, v5;
	[tilespmem:s25+$0x300] =	vst v7  }
0x25a: {  	[tilespmem:s25+$0xFFFFFD00] =	vst v2;
	v1 =	vmul.f32 $8.000000000e+00, v1;
	v2 =	vld [tilespmem:s28+$0xD0]  }
0x25b: {  	v7 =	vld [tilespmem:s28+$0xFFFFFF50];
	[tilespmem:s25+$0xFFFFFE00] =	vst v5;
	v3 =	vmul.f32 $8.000000000e+00, v3  }
0x25c: {  	v5 =	vld [tilespmem:s28+$0xFFFFFF90];
	[tilespmem:s25+$0xFFFFFF00] =	vst v1;
	v0 =	vmul.f32 $8.000000000e+00, v0  }
0x25d: {  	v1 =	vld [tilespmem:s28+$0xFFFFFFD0];
	[tilespmem:s25+$0x0] =	vst v3;
	v3 =	vmul.f32 $8.000000000e+00, v6  }
0x25e: {  	v4 =	vmul.f32 $8.000000000e+00, v4;
	v6 =	vld [tilespmem:s28+$0x10];
	[tilespmem:s25+$0x100] =	vst v0  }
0x25f: {  	v0 =	vld [tilespmem:s28+$0x50];
	[tilespmem:s25+$0x200] =	vst v3;
	v2 =	vmul.f32 $8.000000000e+00, v2  }
0x260: {  	[tilespmem:s25+$0xFFFFFC00] =	vst v4;
	v3 =	vmul.f32 $8.000000000e+00, v7;
	v4 =	vld [tilespmem:s28+$0x90]  }
0x261: {  	v7 =	vld [tilespmem:s28+$0xFFFFFF10];
	v5 =	vmul.f32 $8.000000000e+00, v5;
	[tilespmem:s25+$0x310] =	vst v2  }
0x262: {  	[tilespmem:s25+$0xFFFFFD10] =	vst v3;
	v1 =	vmul.f32 $8.000000000e+00, v1;
	v2 =	vld [tilespmem:s28+$0xE0]  }
0x263: {  	v3 =	vld [tilespmem:s28+$0xFFFFFF60];
	[tilespmem:s25+$0xFFFFFE10] =	vst v5;
	v5 =	vmul.f32 $8.000000000e+00, v6  }
0x264: {  	v6 =	vld [tilespmem:s28+$0xFFFFFFA0];
	[tilespmem:s25+$0xFFFFFF10] =	vst v1;
	v0 =	vmul.f32 $8.000000000e+00, v0  }
0x265: {  	v1 =	vld [tilespmem:s28+$0xFFFFFFE0];
	[tilespmem:s25+$0x10] =	vst v5;
	v4 =	vmul.f32 $8.000000000e+00, v4  }
0x266: {  	v5 =	vmul.f32 $8.000000000e+00, v7;
	v7 =	vld [tilespmem:s28+$0x20];
	[tilespmem:s25+$0x110] =	vst v0  }
0x267: {  	v0 =	vld [tilespmem:s28+$0x60];
	[tilespmem:s25+$0x210] =	vst v4;
	v2 =	vmul.f32 $8.000000000e+00, v2  }
0x268: {  	[tilespmem:s25+$0xFFFFFC10] =	vst v5;
	v3 =	vmul.f32 $8.000000000e+00, v3;
	v4 =	vld [tilespmem:s28+$0xA0]  }
0x269: {  	v5 =	vld [tilespmem:s28+$0xFFFFFF20];
	v6 =	vmul.f32 $8.000000000e+00, v6;
	[tilespmem:s25+$0x320] =	vst v2  }
0x26a: {  	[tilespmem:s25+$0xFFFFFD20] =	vst v3;
	v1 =	vmul.f32 $8.000000000e+00, v1;
	v3 =	vld [tilespmem:s28+$0xF0]  }
0x26b: {  	v8 =	vld [tilespmem:s28+$0xFFFFFF70];
	[tilespmem:s25+$0xFFFFFE20] =	vst v6;
	v2 =	vmul.f32 $8.000000000e+00, v7  }
0x26c: {  	v7 =	vld [tilespmem:s28+$0xFFFFFFB0];
	[tilespmem:s25+$0xFFFFFF20] =	vst v1;
	v1 =	vmul.f32 $8.000000000e+00, v0  }
.Ltmp7:
0x26d: {  	v0 =	vld [tilespmem:s28+$0xFFFFFFF0];
	[tilespmem:s25+$0x20] =	vst v2;
	v4 =	vmul.f32 $8.000000000e+00, v4;
	(pc) =	sbr.rel @p1 .LBB2_17-.Ltmp7, $4  }
0x26e: {  	v5 =	vmul.f32 $8.000000000e+00, v5;
	v2 =	vld [tilespmem:s28+$0x30];
	[tilespmem:s25+$0x120] =	vst v1  }
0x26f: {  	v1 =	vld [tilespmem:s28+$0x70];
	[tilespmem:s25+$0x220] =	vst v4;
	v9 =	vmul.f32 $8.000000000e+00, v3  }
0x270: {  	[tilespmem:s25+$0xFFFFFC20] =	vst v5;
	v6 =	vmul.f32 $8.000000000e+00, v8;
	v3 =	vld [tilespmem:s28+$0xB0]  }
0x271: {  	v4 =	vld [tilespmem:s28+$0xFFFFFF30];
	v5 =	vmul.f32 $8.000000000e+00, v7;
	[tilespmem:s25+$0x330] =	vst v9;
	s28 =	sadd.s32 $0x200, s28  }
0x272: {  	[tilespmem:s25+$0xFFFFFD30] =	vst v6;
	v0 =	vmul.f32 $8.000000000e+00, v0  }
0x273: {  	[tilespmem:s25+$0xFFFFFE30] =	vst v5;
	v2 =	vmul.f32 $8.000000000e+00, v2  }
0x274: {  	[tilespmem:s25+$0xFFFFFF30] =	vst v0;
	v61 =	vmul.f32 $8.000000000e+00, v1  }
0x275: {  	[tilespmem:s25+$0x30] =	vst v2;
	v62 =	vmul.f32 $8.000000000e+00, v3  }
0x276: {  	v63 =	vmul.f32 $8.000000000e+00, v4;
	[tilespmem:s25+$0x130] =	vst v61  }
0x277: {  	s24 =	sadd.s32 @!p0 $0x280, s24;
	[tilespmem:s25+$0x230] =	vst v62  }
0x278: {  	s26 =	simm.s32 @!p0 $0x8400;
	s22 =	sadd.s32 $0x1, s22;
	[tilespmem:s25+$0xFFFFFC30] =	vst v63;
	s25 =	simm.s32 @!p0 $0x80  }
0x279: {  	[tilespmem:s26], [sflag:$0x2] =	stream.indirect.gather @!p0 [hbm4b:s4+s25], $0x40, s24, s25, $0xb8;
	[tilespmem:$0x1A400] =	vst v63  }
0x27a: {  	p0 =	sne.s32 s22, $0x19  }
.Ltmp8:
0x27b: {  	s23 =	sshll.u32 s23, $0x8;
	(pc) =	sbr.rel @p0 .LBB2_2-.Ltmp8, $4  }
0x27c: {  	s23 =	sadd.s32 s6, s23  }
0x27d: {  	s23 =	sshrl.u32 s23, $0x3  }
0x27e: {  	s23 =	sadd.s32 s2, s23  }
0x27f: {  	[hbm4b:s23+s15] =	stream.strided.scatter [tilespmem:s18], [sflag:$0x4], $0x8000, s16, s15, $0x38;
	[tilespmem:$0x1A400] =	vst v63  }
0x280: {  	s21 =	sadd.s32 $0x1, s21  }
0x281: {  	_ =	swait.ge [sflag:s19], $0x8000;
	p0 =	sne.s32 s21, s7  }
.Ltmp9:
0x282: {  	[sflag:s19] =	ssyncset.done $0x0;
	(pc) =	sbr.rel @p0 .LBB2_1-.Ltmp9, $4  }
0x283: {  	[sflag:s19] =	ssyncadd.s32 $0xFFFF8000  }
0x284: {  	_ =	swait.ge [sflag:s20], $0x8000  }
0x285: {  	[sflag:s20] =	ssyncset.done $0x0  }
0x286: {  	[sflag:s20] =	ssyncadd.s32 $0xFFFF8000  }
0x287: {  	_ =	sfence.sel $0x180000  }
0x288: {  	[bflag:$0x0] =	sbarrier.arrive $0xFFFF  }
0x289: {  	p0 =	sne.s32 s1, $0x0;
	_ =	strace $0x90000047  }
0x28a: {  	s0 =	sadd.s32 @!p0 $0x100000, s0;
	[bflag:$0x2] =	sbarrier.arrive $0xFFFF  }
0x28b: {  	[sflag:s0] =	ssyncadd.tile.s32 @!p0 $0x1;
	_ =	shalt  }
.Lfunc_end2:
_tile_overlayer_lowered:
.L_overlay_start_2:
0x28c: {  	(tag) =	ssettag $0x2  }
0x28d: {  	s0 =	rddreg [dreg:$0x0];
	s2 =	stileid.u32  }
0x28e: {  	s1 =	rddreg [dreg:$0x1];
	p0 =	sne.s32 s2, $0x0  }
0x28f: {  	s3 =	rddreg [dreg:$0x2];
	[bflag:$0x3] =	sbarrier.arrive $0xFFFF;
	s2 =	simm.s32 @!p0 $0x1C05  }
0x290: {  	[timem:s3], [sflag:s2] =	dma.local @!p0 [hbm:s0], s1  }
0x291: {  	s0 =	simm.s32 @!p0 $0x5  }
0x292: {  	_ =	swait.ge @!p0 [sflag:s0], s1  }
0x293: {  	s1 =	ssub.s32 @!p0 $0x0, s1;
	[sflag:s0] =	ssyncset.done @!p0 $0x0  }
0x294: {  	[sflag:s0] =	ssyncadd.s32 @!p0 s1  }
0x295: {  	[bflag:$0x3] =	sbarrier.arrive $0xFFFF  }
0x296: {  	_ =	shalt  }

// kernel: sparse-core-data-format-call.cloned.1.call-start
scs
called_computation_lowered:
.L_overlay_start_0:
0x0: {  	s2 =	sld [smem:$0x3FD9]  }
0x1: {  	s3 =	sld [smem:$0x3FFE];
	_ =	sdelay $0x1  }
0x2: {  	s1 =	srdreg.scid  }
0x3: {  	s0 =	sand.u32 $0x1, s1  }
0x4: {  	s18 =	sshll.u32 s0, $0xA;
	s2 =	sadd.s32 s3, s2  }
0x5: {  	s2 =	sadd.s32 s2, s18  }
0x6: {  	[smem:$0x3FC6] =	sst s2  }
0x7: {  	_ = 	snop  }
0x8: {  	s2 =	sld [smem:$0x3FD0];
	(tm) =	ssettm $0x1  }
0x9: {  	s19 =	sld [smem:$0x3FFB];
	_ =	sdelay $0x3  }
0xa: {  	_ =	strace s19  }
0xb: {  	s3 =	sld [smem:$0x3FFC];
	_ =	sdelay $0x3  }
0xc: {  	_ =	strace s3  }
0xd: {  	s3 =	sld [smem:$0x3FFD];
	_ =	sdelay $0x3  }
0xe: {  	_ =	strace s3  }
0xf: {  	_ =	strace $0x8FFFFFFF  }
0x10: {  	s20 =	sld [smem:$0x3FDB];
	_ =	sdelay $0x1  }
0x11: {  	s4 =	simm.s32 $_scs_section_size  }
0x12: {  	s5 =	simm.s32 $_size__tile_overlayer_lowered;
	s6 =	simm.s32 $_tile_overlayer_lowered  }
0x13: {  	s23 =	simm.s32 $0x1BFF;
	s22 =	sshll.u32 s6, $0x1;
	s3 =	sadd.s32 s4, s20  }
0x14: {  	s7 =	simm.s32 $0x0;
	s21 =	sshll.u32 s5, $0x1;
	s5 =	sadd.s32 s22, s3  }
0x15: {  	[timem:s7], [sflag:s23] =	dma.local [hbm:s5], s21  }
0x16: {  	_ =	swait.ge [sflag:s23], s21  }
0x17: {  	s4 =	ssub.s32 $0x0, s21;
	[sflag:s23] =	ssyncset.done $0x0  }
0x18: {  	[sflag:s23] =	ssyncadd.s32 s4;
	_ =	sdelay $0x1  }
0x19: {  	s24 =	simm.s32 $0x1B8B  }
0x1a: {  	_ =	swait.ge [sflag:s24], $0x1  }
0x1b: {  	[sflag:s24] =	ssyncset.done $0x0  }
0x1c: {  	s26 =	simm.s32 $0x1B8E;
	s25 =	sld [smem:$0x3FFE];
	[sflag:s24] =	ssyncadd.s32 $0xFFFFFFFF  }
0x1d: {  	s27 =	simm.s32 $execute0_lowered;
	[smem:$0x3FD2] =	sst s26  }
0x1e: {  	s5 =	sshll.u32 s27, $0x1;
	_ =	strace $0x80000049;
	[dreg:$0x1] =	wrdreg $0xFFFFFFFF  }
0x1f: {  	s28 =	simm.s32 $_size_execute0_lowered;
	s3 =	sadd.s32 s3, s5;
	[dreg:$0x0] =	wrdreg $0x0  }
0x20: {  	s5 =	sshll.u32 s28, $0x1;
	[dreg:$0x2] =	wrdreg s3  }
0x21: {  	[dreg:$0x3] =	wrdreg s5  }
0x22: {  	[dreg:$0x4] =	wrdreg $0xC0  }
0x23: {  	_ =	task [dreg:s7], $0x5FFFF  }
0x24: {  	[dreg:$0x1] =	wrdreg $0xFFFFFFFF  }
0x25: {  	[dreg:$0x0] =	wrdreg $0x60  }
0x26: {  	[dreg:$0x2] =	wrdreg s25  }
0x27: {  	[dreg:$0x3] =	wrdreg s2  }
0x28: {  	[dreg:$0x4] =	wrdreg $0x9  }
0x29: {  	_ =	task.clear_ibuf [dreg:s7], $0x5FFFF;
	_ =	strace $0x90000049  }
0x2a: {  	s29 =	simm.s32 $0x9;
	_ =	strace $0x8000004B  }
0x2b: {  	_ =	swait.ge [sflag:s29], $0x1  }
0x2c: {  	[sflag:s29] =	ssyncadd.s32 $0xFFFFFFFF  }
0x2d: {  	_ =	strace $0x9000004B  }
0x2e: {  	_ =	sfence  }
0x2f: {  	s30 =	sld [smem:$0x0];
	_ =	sdelay $0x2  }
0x30: {  	s31 =	sshll.u32 s1, $0xD;
	s1 =	sshrl.u32 s1, $0x2  }
0x31: {  	s3 =	sand.u32 $0x4000, s31;
	s1 =	sadd.s32 s1, s30  }
0x32: {  	s0 =	sor.u32 s3, s0;
	s1 =	sshll.u32 s1, $0x11  }
0x33: {  	s0 =	sor.u32 s1, s0  }
0x34: {  	s0 =	sadd.s32 $0x8F2B, s0  }
0x35: {  	[sflag:s0] =	ssyncadd.remote.s32 $0x1  }
0x36: {  	_ =	sfence.sel $0xFFFF  }
0x37: {  	[dreg:$0x0] =	wrdreg $0xFFFFFFFF;
	(pc) =	sbr.abs _section_cstart, $3  }
0x38: {  	[dreg:$0x1] =	wrdreg $0xFFFFFFFF  }
0x39: {  	_ =	task.clear_ibuf [dreg:s7], $0x2FFFF;
	_ =	strace $0x9FFFFFFF  }
0x3a: {  	(tm) =	ssettm $0x7FFFFFFF  }
0x3b: {  	_ =	shalt  }
tec
execute0_lowered:
.L_overlay_start_1:
0x0: {  	(tag) =	ssettag $0x1  }
0x1: {  	s0 =	srdreg.scid  }
0x2: {  	s1 =	sshll.u32 s0, $0x4  }
0x3: {  	s0 =	stileid.u32;
	s1 =	sand.u32 $0x10, s1  }
0x4: {  	s1 =	sor.u32 s0, s1  }
0x5: {  	s6 =	rddreg [dreg:$0x0];
	s4 =	simm.s32 $0x1;
	s2 =	sshll.u32 s1, $0x7  }
0x6: {  	s7 =	simm.s32 $0x2;
	s13 =	simm.s32 $0x0;
	s1 =	ssub.s32 $0x1000, s2  }
0x7: {  	s8 =	simm.s32 $0x8000;
	s12 =	simm.s32 $0x0;
	s3 =	sand.u32 $0xF80, s1  }
0x8: {  	s9 =	simm.s32 $0x0;
	s5 =	sshrl.u32 s1, $0xC;
	p0 =	sne.s32 s3, $0x0  }
.Ltmp0:
0x9: {  	s1 =	rddreg [dreg:$0x2];
	s4 =	simm.s32 @!p0 $0x0;
	(pc) =	sbr.rel .LBB1_1-.Ltmp0, $4  }
0xa: {  	s11 =	simm.s32 $0x0;
	s3 =	rddreg [dreg:$0x1];
	s5 =	sadd.s32 s4, s5  }
0xb: {  	_ =	strace $0x8000004A;
	s4 =	simm.s32 $0x1;
	s5 =	smul.u32 $0x64, s5  }
0xc: {  	s6 =	sadd.s32 $0xA00, s6;
	s10 =	smov.u32 s2;
	[sflag:s4] =	ssyncpa.u1 $0x0  }
0xd: {  	p0 =	por $0x0, $0x0;
	[sflag:s7] =	ssyncpa.u1 $0x0;
	s7 =	sor.u32 $0x1, s5  }
.LBB1_4:
0xe: {  	v5 =	vld [tilespmem:s17+$0xFFFFFFD0];
	[tilespmem:s16+$0x2040 ss:$0x81] =	vst.msk $0xffff, v4;
	s19 =	sshll.u32 s13, $0xC;
	s20 =	sshll.u32 s12, $0x3  }
0xf: {  	v58 =	vld [tilespmem:s17+$0xFFFFFFE0];
	[tilespmem:s16+$0x2850 ss:$0x81] =	vst.msk $0xffff, v3;
	s19 =	sand.u32 $0xFFFF8000, s19;
	s21 =	sand.u32 $0xFFFFFC00, s20  }
0x10: {  	s18 =	sshra.s32 s18, $0x2;
	v59 =	vld [tilespmem:s17+$0xFFFFFFF0];
	[tilespmem:s16+$0x3060 ss:$0x81] =	vst.msk $0xffff, v2;
	s19 =	sadd.s32 s21, s19  }
0x11: {  	v60 =	vld [tilespmem:s17+$0x0];
	[tilespmem:s16+$0x0 ss:$0x81] =	vst.msk $0xffff, v0;
	s15 =	sadd.s32 s18, s15;
	s26 =	sshrl.u32 s19, $0xC  }
0x12: {  	v61 =	vld [tilespmem:s17+$0x10];
	[tilespmem:s15+$0x3870 ss:$0x81] =	vst.msk $0xffff, v1;
	s27 =	smulhi.u32 $0xA3D71, s26  }
0x13: {  	v62 =	vld [tilespmem:s17+$0x20];
	s28 =	sand.u32 $0x78, s12;
	[tilespmem:s15+$0x810 ss:$0x81] =	vst.msk $0xffff, v5  }
0x14: {  	v63 =	vld [tilespmem:s17+$0xFFFFFFC0];
	s29 =	sshll.u32 s13, $0x7;
	s30 =	sand.u32 $0xC00, s20;
	[tilespmem:s15+$0x1020 ss:$0x81] =	vst.msk $0xffff, v58;
	s18 =	sshrl.u32 s27, $0x1  }
0x15: {  	s13 =	sand.u32 $0x380, s29;
	s17 =	sor.u32 s28, s30;
	[tilespmem:s15+$0x1830 ss:$0x81] =	vst.msk $0xffff, v59;
	s18 =	smul.u32 $0x3200, s18  }
0x16: {  	s13 =	sor.u32 s13, s17;
	[tilespmem:s15+$0x2040 ss:$0x81] =	vst.msk $0xffff, v60  }
0x17: {  	s31 =	sand.u32 $0x7, s12;
	s13 =	sshrl.u32 s13, $0x3;
	[tilespmem:s15+$0x2850 ss:$0x81] =	vst.msk $0xffff, v61;
	s16 =	ssub.s32 s26, s18  }
0x18: {  	s12 =	sshll.u32 s31, $0x12;
	[tilespmem:s15+$0x3060 ss:$0x81] =	vst.msk $0xffff, v62;
	s13 =	sadd.s32 s3, s13;
	s16 =	sshll.u32 s16, $0x9  }
0x19: {  	s12 =	sor.u32 $0x400, s12;
	[tilespmem:s15+$0x0 ss:$0x81] =	vst.msk $0xffff, v63;
	s13 =	sadd.s32 s16, s13  }
0x1a: {  	[hbm4b:s13+s12] =	stream.strided.scatter [tilespmem:s14], [sflag:$0x2], $0x4000, s8, s12, $0x20;
	[tilespmem:$0x10100] =	vst v63  }
.LBB1_5:
0x1b: {  	s14 =	sadd.s32 $0x80, s9  }
0x1c: {  	s12 =	sadd.s32 $0x1000, s10;
	s16 =	smov.u32 s10;
	p2 =	sgt.s32 s14, $0x31FF  }
0x1d: {  	s16 =	smov.u32 @p2 s12  }
0x1e: {  	s14 =	simm.s32 @p2 $0x0;
	p2 =	sgt.s32 s16, $0xFFF  }
0x1f: {  	s16 =	smov.u32 @p2 s2;
	p2 =	sne.s32 s11, s7  }
.Ltmp1:
0x20: {  	p1 =	slt.u32 s11, $0x2;
	(pc) =	sbr.rel @!p2 .LBB1_6-.Ltmp1, $4  }
0x21: {  	s15 =	simm.s32 @!p1 $0x2  }
0x22: {  	s13 =	smov.u32 s9;
	p0 =	por !p0, !p0;
	_ =	swait.ge @!p1 [sflag:s15], $0x4000  }
0x23: {  	s12 =	smov.u32 s10;
	[sflag:s15] =	ssyncset.done @!p1 $0x0;
	s9 =	smov.u32 s14  }
0x24: {  	s11 =	sadd.s32 $0x1, s11;
	[sflag:s15] =	ssyncadd.s32 @!p1 $0xFFFFC000;
	s10 =	smov.u32 s16  }
.LBB1_1:
0x25: {  	p1 =	sge.u32 s11, s5  }
0x26: {  	s14 =	sshrl.u32 @!p1 s10, $0x3  }
0x27: {  	s15 =	sshll.u32 @!p1 s9, $0x3;
	s14 =	smul.u32 @!p1 $0x19000, s14  }
0x28: {  	s16 =	sshll.u32 @!p1 s10, $0x7;
	s15 =	sand.u32 @!p1 $0xFFFFFC00, s15  }
0x29: {  	s14 =	sadd.s32 @!p1 s14, s15;
	s15 =	sand.u32 @!p1 $0x380, s16  }
0x2a: {  	s16 =	sand.u32 @!p1 $0x7F, s9;
	s14 =	sor.u32 @!p1 s15, s14  }
0x2b: {  	s15 =	sor.u32 @!p1 s16, s14  }
0x2c: {  	s16 =	smulhi.u32 @!p1 $0x51EB851F, s15;
	_ =	sdelay $0x1  }
0x2d: {  	s14 =	smulhi.u32 @!p1 $0x51EB851F, s14;
	s16 =	sshrl.u32 @!p1 s16, $0xC  }
0x2e: {  	s16 =	smul.u32 @!p1 $0x3200, s16  }
0x2f: {  	s31 =	sadd.s32 $0xFFFFFFFF, s11;
	s17 =	sxor.u32 @!p1 $0xFFFFFFFF, s11;
	s14 =	sshrl.u32 @!p1 s14, $0xC  }
0x30: {  	s17 =	sshll.u32 @!p1 s17, $0xE;
	s14 =	sand.u32 @!p1 $0xFFF, s14;
	s15 =	ssub.s32 @!p1 s15, s16  }
0x31: {  	s14 =	smul.u32 @!p1 $0x640, s14;
	s16 =	sshrl.u32 @!p1 s15, $0x3;
	s15 =	sand.u32 @!p1 $0x7, s15  }
0x32: {  	s17 =	sand.u32 @!p1 $0x4000, s17;
	s16 =	sadd.s32 @!p1 s6, s16;
	s15 =	sshll.u32 @!p1 s15, $0x12  }
0x33: {  	s14 =	sadd.s32 @!p1 s14, s16;
	s15 =	sor.u32 @!p1 $0x400, s15;
	s16 =	simm.s32 @!p1 $0x19000  }
0x34: {  	[tilespmem:s17], [sflag:$0x1] =	stream.strided.gather @!p1 [hbm4b:s14+s15], $0x4000, s16, s15, $0x38;
	[tilespmem:$0x10100] =	vst v63  }
0x35: {  	p1 =	sge.u32 s31, s5  }
.Ltmp2:
0x36: {  	_ = 	snop;
	(pc) =	sbr.rel @p1 .LBB1_5-.Ltmp2, $1  }
0x37: {  	_ =	sdelay $0x3  }
0x38: {  	s14 =	simm.s32 $0x1  }
0x39: {  	_ =	swait.ge [sflag:s4], $0x4000;
	s14 =	simm.s32 @!p0 $0x0  }
0x3a: {  	[sflag:s4] =	ssyncset.done $0x0;
	s15 =	sshll.u32 s14, $0xE  }
0x3b: {  	[sflag:s4] =	ssyncadd.s32 $0xFFFFC000;
	s17 =	sor.u32 $0x40, s15  }
0x3c: {  	s14 =	smul.u32 $0x10200, s14;
	v0 =	vld [tilespmem:s17+$0x30]  }
0x3d: {  	v1 =	vld [tilespmem:s17+$0xFFFFFFD0]  }
0x3e: {  	s14 =	sshrl.u32 s14, $0x2;
	v5 =	vld [tilespmem:s17+$0xFFFFFFE0]  }
0x3f: {  	v6 =	vld [tilespmem:s17+$0xFFFFFFF0];
	s15 =	sor.u32 $0x8000, s14  }
0x40: {  	s31 =	sand.u32 $0x1, s11;
	v4 =	vld [tilespmem:s17+$0x0];
	s16 =	sadd.s32 $0x0, s15  }
0x41: {  	v3 =	vld [tilespmem:s17+$0x10];
	s14 =	smul.u32 $0x10200, s31;
	[tilespmem:s16+$0x3870 ss:$0x81] =	vst.msk $0xffff, v0  }
0x42: {  	v2 =	vld [tilespmem:s17+$0x20];
	[tilespmem:s16+$0x810 ss:$0x81] =	vst.msk $0xffff, v1  }
0x43: {  	s14 =	sshrl.u32 s14, $0x2;
	v0 =	vld [tilespmem:s17+$0xFFFFFFC0];
	[tilespmem:s16+$0x1020 ss:$0x81] =	vst.msk $0xffff, v5;
	s17 =	sadd.s32 $0x80, s17  }
0x44: {  	s18 =	simm.s32 $0x4;
	s19 =	simm.s32 $0x8;
	s14 =	sor.u32 $0x8000, s14;
	[tilespmem:s16+$0x1830 ss:$0x81] =	vst.msk $0xffff, v6;
	v1 =	vld [tilespmem:s17+$0x30]  }
.LBB1_3:
0x45: {  	p1 =	sne.s32 s19, $0x1FC;
	v5 =	vld [tilespmem:s17+$0xFFFFFFD0];
	[tilespmem:s16+$0x2040 ss:$0x81] =	vst.msk $0xffff, v4  }
0x46: {  	v6 =	vld [tilespmem:s17+$0xFFFFFFE0];
	[tilespmem:s16+$0x2850 ss:$0x81] =	vst.msk $0xffff, v3  }
0x47: {  	s20 =	sshra.s32 s18, $0x2;
	s18 =	smov.u32 s19;
	v7 =	vld [tilespmem:s17+$0xFFFFFFF0];
	[tilespmem:s16+$0x3060 ss:$0x81] =	vst.msk $0xffff, v2  }
.Ltmp3:
0x48: {  	v4 =	vld [tilespmem:s17+$0x0];
	[tilespmem:s16+$0x0 ss:$0x81] =	vst.msk $0xffff, v0;
	s16 =	sadd.s32 s20, s15;
	(pc) =	sbr.rel @p1 .LBB1_3-.Ltmp3, $4  }
0x49: {  	v3 =	vld [tilespmem:s17+$0x10];
	[tilespmem:s16+$0x3870 ss:$0x81] =	vst.msk $0xffff, v1  }
0x4a: {  	[tilespmem:s16+$0x810 ss:$0x81] =	vst.msk $0xffff, v5;
	v2 =	vld [tilespmem:s17+$0x20]  }
0x4b: {  	v0 =	vld [tilespmem:s17+$0xFFFFFFC0];
	[tilespmem:s16+$0x1020 ss:$0x81] =	vst.msk $0xffff, v6;
	s17 =	sadd.s32 $0x80, s17  }
0x4c: {  	s19 =	sadd.s32 $0x4, s19;
	v1 =	vld [tilespmem:s17+$0x30];
	[tilespmem:s16+$0x1830 ss:$0x81] =	vst.msk $0xffff, v7  }
.Ltmp4:
0x4d: {  	_ = 	snop;
	(pc) =	sbr.rel .LBB1_4-.Ltmp4, $1  }
0x4e: {  	_ =	sdelay $0x3  }
.LBB1_6:
0x4f: {  	_ =	sfence.sel $0x180000  }
0x50: {  	s2 =	simm.s32 $0x1;
	[bflag:$0x0] =	sbarrier.arrive $0xFFFF  }
0x51: {  	s31 =	simm.s32 $0x2;
	[sflag:s2] =	ssyncpa.u1 $0x1  }
0x52: {  	[sflag:s31] =	ssyncpa.u1 $0x1  }
0x53: {  	p0 =	sne.s32 s0, $0x0;
	_ =	strace $0x9000004A  }
0x54: {  	s0 =	sadd.s32 @!p0 $0x100000, s1;
	[bflag:$0x2] =	sbarrier.arrive $0xFFFF  }
0x55: {  	[sflag:s0] =	ssyncadd.tile.s32 @!p0 $0x1;
	_ =	shalt  }
.Lfunc_end1:
_tile_overlayer_lowered:
.L_overlay_start_2:
0x56: {  	(tag) =	ssettag $0x2  }
0x57: {  	s0 =	rddreg [dreg:$0x0];
	s2 =	stileid.u32  }
0x58: {  	s1 =	rddreg [dreg:$0x1];
	p0 =	sne.s32 s2, $0x0  }
0x59: {  	s3 =	rddreg [dreg:$0x2];
	[bflag:$0x3] =	sbarrier.arrive $0xFFFF;
	s2 =	simm.s32 @!p0 $0x1C01  }
0x5a: {  	[timem:s3], [sflag:s2] =	dma.local @!p0 [hbm:s0], s1  }
0x5b: {  	s0 =	simm.s32 @!p0 $0x1  }
0x5c: {  	_ =	swait.ge @!p0 [sflag:s0], s1  }
0x5d: {  	s1 =	ssub.s32 @!p0 $0x0, s1;
	[sflag:s0] =	ssyncset.done @!p0 $0x0  }
0x5e: {  	[sflag:s0] =	ssyncadd.s32 @!p0 s1  }
0x5f: {  	[bflag:$0x3] =	sbarrier.arrive $0xFFFF  }
0x60: {  	_ =	shalt  }

</sc_bundles>
